<compile_context>
chip_gen: v7x
topology: tpu7x:2x2x1
jax: 0.10.2.dev20260603
libtpu: 0.0.44.dev20260713+nightly
codegen_flags: <defaults>
</compile_context>

<pallas_src>
import functools

import jax
import jax.numpy as jnp
from jax import lax
from jax.experimental import pallas as pl
from jax.experimental.pallas import tpu as pltpu
from jax.experimental.pallas import tpu_sc as plsc

N = 10000
E = 320000
D = 128
NW = 32
NB = 81
KR = 125
K = 128
NPAD = 240
NP = N + NPAD
RPT = 624

_mesh = plsc.VectorSubcoreMesh(core_axis_name="c", subcore_axis_name="s")


@functools.partial(
    pl.kernel,
    out_type=jax.ShapeDtypeStruct((2, N), jnp.float32),
    mesh=_mesh,
    scratch_types=[
        pltpu.VMEM_SHARED((N,), jnp.float32),
        pltpu.VMEM((NB, K), jnp.int32),
        pltpu.VMEM((K,), jnp.float32),
        pltpu.VMEM((1024,), jnp.float32),
    ],
)
def _deg_kernel(dst_hbm, pdeg_hbm, deg_s, dst_v, ones_v, zb_v):
    c = lax.axis_index("c")
    s = lax.axis_index("s")
    w = c * 16 + s
    pltpu.sync_copy(dst_hbm.at[w], dst_v)

    z16 = jnp.zeros((16,), jnp.float32)
    for k in range(7):
        ones_v[pl.ds(k * 16, 16)] = z16 + 1.0
    lane = lax.iota(jnp.int32, 16)
    ones_v[pl.ds(112, 16)] = jnp.where(lane < 13, 1.0, 0.0).astype(jnp.float32)
    for k in range(64):
        zb_v[pl.ds(k * 16, 16)] = z16
    @pl.when(s < 10)
    def _():
        pltpu.sync_copy(zb_v.at[pl.ds(0, 1000)], deg_s.at[pl.ds(s * 1000, 1000)])

    plsc.subcore_barrier()

    def body(j, carry):
        pltpu.sync_copy(ones_v, deg_s.at[dst_v.at[j]], add=True)
        return carry

    lax.fori_loop(0, NB - 1, body, 0)
    plsc.subcore_barrier()

    @pl.when(s == 0)
    def _():
        pltpu.sync_copy(deg_s, pdeg_hbm.at[c])


@functools.partial(
    pl.kernel,
    out_type=jax.ShapeDtypeStruct((2, N, D), jnp.float32),
    mesh=_mesh,
    scratch_types=[
        pltpu.VMEM_SHARED((N, D), jnp.float32),
        pltpu.VMEM((3, K), jnp.int32),
        pltpu.VMEM((3, K), jnp.int32),
        pltpu.VMEM((K, D), jnp.float32),
        pltpu.VMEM((K, D), jnp.float32),
        pltpu.VMEM((K, D), jnp.float32),
        pltpu.SemaphoreType.DMA,
        pltpu.SemaphoreType.DMA,
        pltpu.SemaphoreType.DMA,
        pltpu.SemaphoreType.DMA,
        pltpu.SemaphoreType.DMA,
        pltpu.SemaphoreType.DMA,
    ],
)
def _agg_kernel(xp_hbm, src_hbm, dst_hbm, pagg_hbm, agg_s, sidx, didx,
                buf_0, buf_1, buf_2, sem_0, sem_1, sem_2,
                sem_i0, sem_i1, sem_i2):
    c = lax.axis_index("c")
    s = lax.axis_index("s")
    w = c * 16 + s

    z16 = jnp.zeros((16,), jnp.float32)

    def zrow(i, carry):
        for k in range(8):
            buf_0[i, pl.ds(k * 16, 16)] = z16
        return carry

    lax.fori_loop(0, 104, zrow, 0)
    base = s * RPT
    for k in range(6):
        pltpu.sync_copy(buf_0.at[pl.ds(0, 104)], agg_s.at[pl.ds(base + k * 104, 104)])

    @pl.when(s == 15)
    def _():
        pltpu.sync_copy(buf_0.at[pl.ds(0, 16)], agg_s.at[pl.ds(N - 16, 16)])

    plsc.subcore_barrier()

    bufs = (buf_0, buf_1, buf_2)
    sems = (sem_0, sem_1, sem_2)
    isems = (sem_i0, sem_i1, sem_i2)

    def _start_gather(p):
        pltpu.async_copy(xp_hbm.at[sidx.at[p]], bufs[p], sems[p])

    def _wait_gather(p):
        pltpu.make_async_copy(xp_hbm.at[sidx.at[p]], bufs[p], sems[p]).wait()

    pltpu.sync_copy(src_hbm.at[w, 0], sidx.at[0])
    pltpu.sync_copy(dst_hbm.at[w, 0], didx.at[0])
    pltpu.sync_copy(src_hbm.at[w, 1], sidx.at[1])
    pltpu.sync_copy(dst_hbm.at[w, 1], didx.at[1])
    _start_gather(0)
    _start_gather(1)
    pltpu.async_copy(src_hbm.at[w, 2], sidx.at[2], sem_i2)
    pltpu.async_copy(dst_hbm.at[w, 2], didx.at[2], sem_i2)

    def body(i, carry):
        j3 = i * 3
        for p in range(3):
            j = j3 + p
            r = (p + 2) % 3
            _wait_gather(p)

            @pl.when(j + 2 < NB)
            def _():
                pltpu.make_async_copy(src_hbm.at[w, j + 2], sidx.at[r],
                                      isems[r]).wait()
                pltpu.make_async_copy(dst_hbm.at[w, j + 2], didx.at[r],
                                      isems[r]).wait()
                _start_gather(r)

            pltpu.sync_copy(bufs[p], agg_s.at[didx.at[p]], add=True)

            @pl.when(j + 3 < NB)
            def _():
                pltpu.async_copy(src_hbm.at[w, j + 3], sidx.at[p], isems[p])
                pltpu.async_copy(dst_hbm.at[w, j + 3], didx.at[p], isems[p])
        return carry

    lax.fori_loop(0, NB // 3, body, 0)
    plsc.subcore_barrier()

    pltpu.sync_copy(agg_s.at[pl.ds(base, RPT)], pagg_hbm.at[c, pl.ds(base, RPT)])

    @pl.when(s == 15)
    def _():
        pltpu.sync_copy(agg_s.at[pl.ds(N - 16, 16)], pagg_hbm.at[c, pl.ds(N - 16, 16)])


_RBB = 512


def _scale_body(pd0_ref, pd1_ref, x_ref, xp_ref, dis_ref):
    i = pl.program_id(0)
    deg = pd0_ref[0, :, 0] + pd1_ref[0, :, 0]
    deg = jnp.maximum(deg, 1.0)
    dis = lax.rsqrt(deg)[:, None]
    row = i * _RBB + lax.broadcasted_iota(jnp.int32, (_RBB, 1), 0)
    pad = row >= N
    xp_ref[...] = jnp.where(pad, 0.0, x_ref[...] * dis)
    dis_ref[...] = jnp.where(pad, 1.0, dis)


def _scale_call(pdeg3, x):
    return pl.pallas_call(
        _scale_body,
        grid=(NP // _RBB,),
        in_specs=[
            pl.BlockSpec((1, _RBB, 1), lambda i: (0, i, 0)),
            pl.BlockSpec((1, _RBB, 1), lambda i: (1, i, 0)),
            pl.BlockSpec((_RBB, D), lambda i: (i, 0)),
        ],
        out_specs=[
            pl.BlockSpec((_RBB, D), lambda i: (i, 0)),
            pl.BlockSpec((_RBB, 1), lambda i: (i, 0)),
        ],
        out_shape=[
            jax.ShapeDtypeStruct((NP, D), jnp.float32),
            jax.ShapeDtypeStruct((NP, 1), jnp.float32),
        ],
    )(pdeg3, pdeg3, x)


_RB = 400


def _matmul_body(pagg_ref, dis_ref, w_ref, b_ref, out_ref):
    a = (pagg_ref[0] + pagg_ref[1]) * dis_ref[...]
    out_ref[...] = (
        jnp.dot(a, w_ref[...], preferred_element_type=jnp.float32) + b_ref[...]
    )


def _matmul_call(pagg, dis, W, b2):
    return pl.pallas_call(
        _matmul_body,
        grid=(N // _RB,),
        in_specs=[
            pl.BlockSpec((2, _RB, D), lambda i: (0, i, 0)),
            pl.BlockSpec((_RB, 1), lambda i: (i, 0)),
            pl.BlockSpec((D, D), lambda i: (0, 0)),
            pl.BlockSpec((1, D), lambda i: (0, 0)),
        ],
        out_specs=pl.BlockSpec((_RB, D), lambda i: (i, 0)),
        out_shape=jax.ShapeDtypeStruct((N, D), jnp.float32),
    )(pagg, dis, W, b2)


def kernel(x, edge_index, W, b):
    src = edge_index[0].reshape(NW, NB - 1, KR)
    dst = edge_index[1].reshape(NW, NB - 1, KR)
    spread = jnp.arange(NW * (NB - 1) * 3, dtype=jnp.int32).reshape(NW, NB - 1, 3)
    src_p = jnp.concatenate([src, N + spread % NPAD], axis=2)
    dst_p = jnp.concatenate([dst, (spread * 37) % N], axis=2)
    tail = jnp.arange(NW * K, dtype=jnp.int32).reshape(NW, 1, K)
    src_p = jnp.concatenate([src_p, N + tail % NPAD], axis=1)
    dst_p = jnp.concatenate([dst_p, (tail * 37) % N], axis=1)

    pdeg = _deg_kernel(dst_p)
    xp, dis = _scale_call(pdeg.reshape(2, N, 1), x)
    pagg = _agg_kernel(xp, src_p, dst_p)
    return _matmul_call(pagg, dis, W, b.reshape(1, D))

# --- scband reference (transcript-rebuilt; emitter-appended) ---
"""Pipeline reference for scband-gcal-33182917328956 (READ-ONLY COPY).

The authoritative reference and input builder live on the scoring server;
editing this copy changes nothing except your own understanding.
"""

import jax, jax.numpy as jnp
import numpy as np

N_NODES = 10000
N_EDGES = 320000
D_FEAT = 128

def setup_inputs(seed: int = 0) -> dict:
    key = jax.random.key(seed)
    k1, k2, k3, k4 = jax.random.split(key, 4)
    x = jax.random.normal(k1, (N_NODES, D_FEAT), dtype=jnp.float32)
    edge_index = jax.random.randint(k2, (2, N_EDGES), 0, N_NODES, dtype=jnp.int32)
    W = jax.random.normal(k3, (D_FEAT, D_FEAT), dtype=jnp.float32) * (1.0 / np.sqrt(D_FEAT))
    b = jnp.zeros((D_FEAT,), dtype=jnp.float32)
    return {"x": x, "edge_index": edge_index, "W": W, "b": b}

def reference(x, edge_index, W, b):
    # GCN-style message passing layer (core of GCAL's GNN encoder):
    # out = D^{-1/2} A D^{-1/2} X W + b, implemented via gather + scatter-add.
    N = x.shape[0]
    src = edge_index[0]
    dst = edge_index[1]
    ones = jnp.ones(src.shape[0], dtype=x.dtype)
    deg = jnp.zeros((N,), dtype=x.dtype).at[dst].add(ones)
    deg = jnp.clip(deg, 1.0, None)
    deg_inv_sqrt = jax.lax.rsqrt(deg)
    norm = deg_inv_sqrt[src] * deg_inv_sqrt[dst]
    msg = x[src] * norm[:, None]
    agg = jnp.zeros((N, x.shape[1]), dtype=x.dtype).at[dst].add(msg)
    out = agg @ W + b
    return out

if __name__ == "__main__":
    import jax
    _d = setup_inputs()
    print(jax.jit(kernel)(*tuple(_d.values())))

</pallas_src>

<mosaic_0001>
#map = affine_map<(d0, d1) -> (0, 0, 0)>
#map1 = affine_map<(d0, d1) -> (0, 0)>
module attributes {stable_mosaic.version = 14 : i64} {
  func.func @_deg_kernel(%arg0: i32, %arg1: i32, %arg2: memref<32x81x128xi32, #tpu.memory_space<hbm>>, %arg3: memref<2x10000xf32, #tpu.memory_space<hbm>>, %arg4: memref<10000xf32, #tpu.memory_space<vmem_shared>>, %arg5: memref<81x128xi32, #tpu.memory_space<vmem>>, %arg6: memref<128xf32, #tpu.memory_space<vmem>>, %arg7: memref<1024xf32, #tpu.memory_space<vmem>>) attributes {dimension_semantics = [#tpu.dimension_semantics<core_parallel>, #tpu.dimension_semantics<subcore_parallel>], iteration_bounds = array<i64: 2, 16>, scalar_prefetch = 0 : i64, scratch_operands = 4 : i64, tpu.core_type = #tpu.core_type<sc_vector_subcore>, window_params = [{transform_indices = #map}, {transform_indices = #map1}]} {
    %mul3A = arith.constant 16 : i32
    %mul3A_0 = arith.muli %arg0, %mul3A : i32
    %add3A = arith.addi %mul3A_0, %arg1 : i32
    "tpu.region"() ({
      %run_scoped3A = tpu.sem_alloc : memref<!tpu.dma_semaphore, #tpu.memory_space<semaphore_mem>>
      %dma_start3A = arith.constant 0 : i32
      %dma_start3A_328 = arith.constant 0 : i32
      %dma_start3A_329 = tpu.memref_slice %arg2[%add3A, %dma_start3A, %dma_start3A_328] : memref<32x81x128xi32, #tpu.memory_space<hbm>> -> memref<1x81x128xi32, #tpu.memory_space<hbm>>
      %dma_start3A_330 = tpu.memref_squeeze %dma_start3A_329 : memref<1x81x128xi32, #tpu.memory_space<hbm>> -> memref<81x128xi32, #tpu.memory_space<hbm>>
      %dma_start3A_331 = arith.constant 0 : i32
      %dma_start3A_332 = arith.constant 0 : i32
      %dma_start3A_333 = tpu.memref_slice %arg2[%add3A, %dma_start3A_331, %dma_start3A_332] : memref<32x81x128xi32, #tpu.memory_space<hbm>> -> memref<1x81x128xi32, #tpu.memory_space<hbm>>
      %dma_start3A_334 = tpu.memref_squeeze %dma_start3A_333 : memref<1x81x128xi32, #tpu.memory_space<hbm>> -> memref<81x128xi32, #tpu.memory_space<hbm>>
      tpu.enqueue_dma source(%dma_start3A_334 : memref<81x128xi32, #tpu.memory_space<hbm>>) target(%arg5 : memref<81x128xi32, #tpu.memory_space<vmem>>) target_semaphore(%run_scoped3A : memref<!tpu.dma_semaphore, #tpu.memory_space<semaphore_mem>>)
      %dma_wait3A = arith.constant 0 : i32
      %dma_wait3A_335 = arith.constant 0 : i32
      %dma_wait3A_336 = tpu.memref_slice %arg2[%add3A, %dma_wait3A, %dma_wait3A_335] : memref<32x81x128xi32, #tpu.memory_space<hbm>> -> memref<1x81x128xi32, #tpu.memory_space<hbm>>
      %dma_wait3A_337 = tpu.memref_squeeze %dma_wait3A_336 : memref<1x81x128xi32, #tpu.memory_space<hbm>> -> memref<81x128xi32, #tpu.memory_space<hbm>>
      %dma_wait3A_338 = arith.constant 0 : i32
      %dma_wait3A_339 = arith.constant 0 : i32
      %dma_wait3A_340 = tpu.memref_slice %arg2[%add3A, %dma_wait3A_338, %dma_wait3A_339] : memref<32x81x128xi32, #tpu.memory_space<hbm>> -> memref<1x81x128xi32, #tpu.memory_space<hbm>>
      %dma_wait3A_341 = tpu.memref_squeeze %dma_wait3A_340 : memref<1x81x128xi32, #tpu.memory_space<hbm>> -> memref<81x128xi32, #tpu.memory_space<hbm>>
      tpu.wait_dma2 semaphore(%run_scoped3A : memref<!tpu.dma_semaphore, #tpu.memory_space<semaphore_mem>>) src(%dma_wait3A_341 : memref<81x128xi32, #tpu.memory_space<hbm>>) dst(%arg5 : memref<81x128xi32, #tpu.memory_space<vmem>>)
      tpu.yield
    }) : () -> ()
    %broadcast_in_dim3A = arith.constant 0.000000e+00 : f32
    %broadcast_in_dim3A_1 = vector.broadcast %broadcast_in_dim3A : f32 to vector<16xf32>
    %add3A_2 = arith.constant 1.000000e+00 : f32
    %add3A_3 = vector.broadcast %add3A_2 : f32 to vector<16xf32>
    %add3A_4 = arith.addf %broadcast_in_dim3A_1, %add3A_3 : vector<16xf32>
    %swap3A = arith.constant 0 : index
    %swap3A_5 = tpu.vector_load %arg6[%swap3A] {strides = array<i32>} : memref<128xf32, #tpu.memory_space<vmem>>, vector<16xf32>,
    %swap3A_6 = vector.shape_cast %swap3A_5 : vector<16xf32> to vector<16xf32>
    %swap3A_7 = vector.shape_cast %add3A_4 : vector<16xf32> to vector<16xf32>
    tpu.vector_store %arg6[%swap3A], %swap3A_7 {strides = array<i32>} : memref<128xf32, #tpu.memory_space<vmem>>, vector<16xf32>,
    %add3A_8 = arith.constant 1.000000e+00 : f32
    %add3A_9 = vector.broadcast %add3A_8 : f32 to vector<16xf32>
    %add3A_10 = arith.addf %broadcast_in_dim3A_1, %add3A_9 : vector<16xf32>
    %swap3A_11 = arith.constant 16 : index
    %swap3A_12 = tpu.vector_load %arg6[%swap3A_11] {strides = array<i32>} : memref<128xf32, #tpu.memory_space<vmem>>, vector<16xf32>,
    %swap3A_13 = vector.shape_cast %swap3A_12 : vector<16xf32> to vector<16xf32>
    %swap3A_14 = vector.shape_cast %add3A_10 : vector<16xf32> to vector<16xf32>
    tpu.vector_store %arg6[%swap3A_11], %swap3A_14 {strides = array<i32>} : memref<128xf32, #tpu.memory_space<vmem>>, vector<16xf32>,
    %add3A_15 = arith.constant 1.000000e+00 : f32
    %add3A_16 = vector.broadcast %add3A_15 : f32 to vector<16xf32>
    %add3A_17 = arith.addf %broadcast_in_dim3A_1, %add3A_16 : vector<16xf32>
    %swap3A_18 = arith.constant 32 : index
    %swap3A_19 = tpu.vector_load %arg6[%swap3A_18] {strides = array<i32>} : memref<128xf32, #tpu.memory_space<vmem>>, vector<16xf32>,
    %swap3A_20 = vector.shape_cast %swap3A_19 : vector<16xf32> to vector<16xf32>
    %swap3A_21 = vector.shape_cast %add3A_17 : vector<16xf32> to vector<16xf32>
    tpu.vector_store %arg6[%swap3A_18], %swap3A_21 {strides = array<i32>} : memref<128xf32, #tpu.memory_space<vmem>>, vector<16xf32>,
    %add3A_22 = arith.constant 1.000000e+00 : f32
    %add3A_23 = vector.broadcast %add3A_22 : f32 to vector<16xf32>
    %add3A_24 = arith.addf %broadcast_in_dim3A_1, %add3A_23 : vector<16xf32>
    %swap3A_25 = arith.constant 48 : index
    %swap3A_26 = tpu.vector_load %arg6[%swap3A_25] {strides = array<i32>} : memref<128xf32, #tpu.memory_space<vmem>>, vector<16xf32>,
    %swap3A_27 = vector.shape_cast %swap3A_26 : vector<16xf32> to vector<16xf32>
    %swap3A_28 = vector.shape_cast %add3A_24 : vector<16xf32> to vector<16xf32>
    tpu.vector_store %arg6[%swap3A_25], %swap3A_28 {strides = array<i32>} : memref<128xf32, #tpu.memory_space<vmem>>, vector<16xf32>,
    %add3A_29 = arith.constant 1.000000e+00 : f32
    %add3A_30 = vector.broadcast %add3A_29 : f32 to vector<16xf32>
    %add3A_31 = arith.addf %broadcast_in_dim3A_1, %add3A_30 : vector<16xf32>
    %swap3A_32 = arith.constant 64 : index
    %swap3A_33 = tpu.vector_load %arg6[%swap3A_32] {strides = array<i32>} : memref<128xf32, #tpu.memory_space<vmem>>, vector<16xf32>,
    %swap3A_34 = vector.shape_cast %swap3A_33 : vector<16xf32> to vector<16xf32>
    %swap3A_35 = vector.shape_cast %add3A_31 : vector<16xf32> to vector<16xf32>
    tpu.vector_store %arg6[%swap3A_32], %swap3A_35 {strides = array<i32>} : memref<128xf32, #tpu.memory_space<vmem>>, vector<16xf32>,
    %add3A_36 = arith.constant 1.000000e+00 : f32
    %add3A_37 = vector.broadcast %add3A_36 : f32 to vector<16xf32>
    %add3A_38 = arith.addf %broadcast_in_dim3A_1, %add3A_37 : vector<16xf32>
    %swap3A_39 = arith.constant 80 : index
    %swap3A_40 = tpu.vector_load %arg6[%swap3A_39] {strides = array<i32>} : memref<128xf32, #tpu.memory_space<vmem>>, vector<16xf32>,
    %swap3A_41 = vector.shape_cast %swap3A_40 : vector<16xf32> to vector<16xf32>
    %swap3A_42 = vector.shape_cast %add3A_38 : vector<16xf32> to vector<16xf32>
    tpu.vector_store %arg6[%swap3A_39], %swap3A_42 {strides = array<i32>} : memref<128xf32, #tpu.memory_space<vmem>>, vector<16xf32>,
    %add3A_43 = arith.constant 1.000000e+00 : f32
    %add3A_44 = vector.broadcast %add3A_43 : f32 to vector<16xf32>
    %add3A_45 = arith.addf %broadcast_in_dim3A_1, %add3A_44 : vector<16xf32>
    %swap3A_46 = arith.constant 96 : index
    %swap3A_47 = tpu.vector_load %arg6[%swap3A_46] {strides = array<i32>} : memref<128xf32, #tpu.memory_space<vmem>>, vector<16xf32>,
    %swap3A_48 = vector.shape_cast %swap3A_47 : vector<16xf32> to vector<16xf32>
    %swap3A_49 = vector.shape_cast %add3A_45 : vector<16xf32> to vector<16xf32>
    tpu.vector_store %arg6[%swap3A_46], %swap3A_49 {strides = array<i32>} : memref<128xf32, #tpu.memory_space<vmem>>, vector<16xf32>,
    %iota3A = tpu.iota {dimensions = array<i32: 0>} : vector<16xi32>
    %lt3A = arith.constant 13 : i32
    %lt3A_50 = vector.broadcast %lt3A : i32 to vector<16xi32>
    %lt3A_51 = arith.cmpi slt, %iota3A, %lt3A_50 : vector<16xi32>
    %jit3A = arith.constant 1.000000e+00 : f32
    %jit3A_52 = arith.constant 0.000000e+00 : f32
    %broadcast_in_dim3A_53 = vector.broadcast %jit3A : f32 to vector<16xf32>
    %broadcast_in_dim3A_54 = vector.broadcast %jit3A_52 : f32 to vector<16xf32>
    %select_n3A = arith.select %lt3A_51, %broadcast_in_dim3A_53, %broadcast_in_dim3A_54 : vector<16xi1>, vector<16xf32>
    %swap3A_55 = arith.constant 112 : index
    %swap3A_56 = tpu.vector_load %arg6[%swap3A_55] {strides = array<i32>} : memref<128xf32, #tpu.memory_space<vmem>>, vector<16xf32>,
    %swap3A_57 = vector.shape_cast %swap3A_56 : vector<16xf32> to vector<16xf32>
    %swap3A_58 = vector.shape_cast %select_n3A : vector<16xf32> to vector<16xf32>
    tpu.vector_store %arg6[%swap3A_55], %swap3A_58 {strides = array<i32>} : memref<128xf32, #tpu.memory_space<vmem>>, vector<16xf32>,
    %swap3A_59 = arith.constant 0 : index
    %swap3A_60 = tpu.vector_load %arg7[%swap3A_59] {strides = array<i32>} : memref<1024xf32, #tpu.memory_space<vmem>>, vector<16xf32>,
    %swap3A_61 = vector.shape_cast %swap3A_60 : vector<16xf32> to vector<16xf32>
    %swap3A_62 = vector.shape_cast %broadcast_in_dim3A_1 : vector<16xf32> to vector<16xf32>
    tpu.vector_store %arg7[%swap3A_59], %swap3A_62 {strides = array<i32>} : memref<1024xf32, #tpu.memory_space<vmem>>, vector<16xf32>,
    %swap3A_63 = arith.constant 16 : index
    %swap3A_64 = tpu.vector_load %arg7[%swap3A_63] {strides = array<i32>} : memref<1024xf32, #tpu.memory_space<vmem>>, vector<16xf32>,
    %swap3A_65 = vector.shape_cast %swap3A_64 : vector<16xf32> to vector<16xf32>
    %swap3A_66 = vector.shape_cast %broadcast_in_dim3A_1 : vector<16xf32> to vector<16xf32>
    tpu.vector_store %arg7[%swap3A_63], %swap3A_66 {strides = array<i32>} : memref<1024xf32, #tpu.memory_space<vmem>>, vector<16xf32>,
    %swap3A_67 = arith.constant 32 : index
    %swap3A_68 = tpu.vector_load %arg7[%swap3A_67] {strides = array<i32>} : memref<1024xf32, #tpu.memory_space<vmem>>, vector<16xf32>,
    %swap3A_69 = vector.shape_cast %swap3A_68 : vector<16xf32> to vector<16xf32>
    %swap3A_70 = vector.shape_cast %broadcast_in_dim3A_1 : vector<16xf32> to vector<16xf32>
    tpu.vector_store %arg7[%swap3A_67], %swap3A_70 {strides = array<i32>} : memref<1024xf32, #tpu.memory_space<vmem>>, vector<16xf32>,
    %swap3A_71 = arith.constant 48 : index
    %swap3A_72 = tpu.vector_load %arg7[%swap3A_71] {strides = array<i32>} : memref<1024xf32, #tpu.memory_space<vmem>>, vector<16xf32>,
    %swap3A_73 = vector.shape_cast %swap3A_72 : vector<16xf32> to vector<16xf32>
    %swap3A_74 = vector.shape_cast %broadcast_in_dim3A_1 : vector<16xf32> to vector<16xf32>
    tpu.vector_store %arg7[%swap3A_71], %swap3A_74 {strides = array<i32>} : memref<1024xf32, #tpu.memory_space<vmem>>, vector<16xf32>,
    %swap3A_75 = arith.constant 64 : index
    %swap3A_76 = tpu.vector_load %arg7[%swap3A_75] {strides = array<i32>} : memref<1024xf32, #tpu.memory_space<vmem>>, vector<16xf32>,
    %swap3A_77 = vector.shape_cast %swap3A_76 : vector<16xf32> to vector<16xf32>
    %swap3A_78 = vector.shape_cast %broadcast_in_dim3A_1 : vector<16xf32> to vector<16xf32>
    tpu.vector_store %arg7[%swap3A_75], %swap3A_78 {strides = array<i32>} : memref<1024xf32, #tpu.memory_space<vmem>>, vector<16xf32>,
    %swap3A_79 = arith.constant 80 : index
    %swap3A_80 = tpu.vector_load %arg7[%swap3A_79] {strides = array<i32>} : memref<1024xf32, #tpu.memory_space<vmem>>, vector<16xf32>,
    %swap3A_81 = vector.shape_cast %swap3A_80 : vector<16xf32> to vector<16xf32>
    %swap3A_82 = vector.shape_cast %broadcast_in_dim3A_1 : vector<16xf32> to vector<16xf32>
    tpu.vector_store %arg7[%swap3A_79], %swap3A_82 {strides = array<i32>} : memref<1024xf32, #tpu.memory_space<vmem>>, vector<16xf32>,
    %swap3A_83 = arith.constant 96 : index
    %swap3A_84 = tpu.vector_load %arg7[%swap3A_83] {strides = array<i32>} : memref<1024xf32, #tpu.memory_space<vmem>>, vector<16xf32>,
    %swap3A_85 = vector.shape_cast %swap3A_84 : vector<16xf32> to vector<16xf32>
    %swap3A_86 = vector.shape_cast %broadcast_in_dim3A_1 : vector<16xf32> to vector<16xf32>
    tpu.vector_store %arg7[%swap3A_83], %swap3A_86 {strides = array<i32>} : memref<1024xf32, #tpu.memory_space<vmem>>, vector<16xf32>,
    %swap3A_87 = arith.constant 112 : index
    %swap3A_88 = tpu.vector_load %arg7[%swap3A_87] {strides = array<i32>} : memref<1024xf32, #tpu.memory_space<vmem>>, vector<16xf32>,
    %swap3A_89 = vector.shape_cast %swap3A_88 : vector<16xf32> to vector<16xf32>
    %swap3A_90 = vector.shape_cast %broadcast_in_dim3A_1 : vector<16xf32> to vector<16xf32>
    tpu.vector_store %arg7[%swap3A_87], %swap3A_90 {strides = array<i32>} : memref<1024xf32, #tpu.memory_space<vmem>>, vector<16xf32>,
    %swap3A_91 = arith.constant 128 : index
    %swap3A_92 = tpu.vector_load %arg7[%swap3A_91] {strides = array<i32>} : memref<1024xf32, #tpu.memory_space<vmem>>, vector<16xf32>,
    %swap3A_93 = vector.shape_cast %swap3A_92 : vector<16xf32> to vector<16xf32>
    %swap3A_94 = vector.shape_cast %broadcast_in_dim3A_1 : vector<16xf32> to vector<16xf32>
    tpu.vector_store %arg7[%swap3A_91], %swap3A_94 {strides = array<i32>} : memref<1024xf32, #tpu.memory_space<vmem>>, vector<16xf32>,
    %swap3A_95 = arith.constant 144 : index
    %swap3A_96 = tpu.vector_load %arg7[%swap3A_95] {strides = array<i32>} : memref<1024xf32, #tpu.memory_space<vmem>>, vector<16xf32>,
    %swap3A_97 = vector.shape_cast %swap3A_96 : vector<16xf32> to vector<16xf32>
    %swap3A_98 = vector.shape_cast %broadcast_in_dim3A_1 : vector<16xf32> to vector<16xf32>
    tpu.vector_store %arg7[%swap3A_95], %swap3A_98 {strides = array<i32>} : memref<1024xf32, #tpu.memory_space<vmem>>, vector<16xf32>,
    %swap3A_99 = arith.constant 160 : index
    %swap3A_100 = tpu.vector_load %arg7[%swap3A_99] {strides = array<i32>} : memref<1024xf32, #tpu.memory_space<vmem>>, vector<16xf32>,
    %swap3A_101 = vector.shape_cast %swap3A_100 : vector<16xf32> to vector<16xf32>
    %swap3A_102 = vector.shape_cast %broadcast_in_dim3A_1 : vector<16xf32> to vector<16xf32>
    tpu.vector_store %arg7[%swap3A_99], %swap3A_102 {strides = array<i32>} : memref<1024xf32, #tpu.memory_space<vmem>>, vector<16xf32>,
    %swap3A_103 = arith.constant 176 : index
    %swap3A_104 = tpu.vector_load %arg7[%swap3A_103] {strides = array<i32>} : memref<1024xf32, #tpu.memory_space<vmem>>, vector<16xf32>,
    %swap3A_105 = vector.shape_cast %swap3A_104 : vector<16xf32> to vector<16xf32>
    %swap3A_106 = vector.shape_cast %broadcast_in_dim3A_1 : vector<16xf32> to vector<16xf32>
    tpu.vector_store %arg7[%swap3A_103], %swap3A_106 {strides = array<i32>} : memref<1024xf32, #tpu.memory_space<vmem>>, vector<16xf32>,
    %swap3A_107 = arith.constant 192 : index
    %swap3A_108 = tpu.vector_load %arg7[%swap3A_107] {strides = array<i32>} : memref<1024xf32, #tpu.memory_space<vmem>>, vector<16xf32>,
    %swap3A_109 = vector.shape_cast %swap3A_108 : vector<16xf32> to vector<16xf32>
    %swap3A_110 = vector.shape_cast %broadcast_in_dim3A_1 : vector<16xf32> to vector<16xf32>
    tpu.vector_store %arg7[%swap3A_107], %swap3A_110 {strides = array<i32>} : memref<1024xf32, #tpu.memory_space<vmem>>, vector<16xf32>,
    %swap3A_111 = arith.constant 208 : index
    %swap3A_112 = tpu.vector_load %arg7[%swap3A_111] {strides = array<i32>} : memref<1024xf32, #tpu.memory_space<vmem>>, vector<16xf32>,
    %swap3A_113 = vector.shape_cast %swap3A_112 : vector<16xf32> to vector<16xf32>
    %swap3A_114 = vector.shape_cast %broadcast_in_dim3A_1 : vector<16xf32> to vector<16xf32>
    tpu.vector_store %arg7[%swap3A_111], %swap3A_114 {strides = array<i32>} : memref<1024xf32, #tpu.memory_space<vmem>>, vector<16xf32>,
    %swap3A_115 = arith.constant 224 : index
    %swap3A_116 = tpu.vector_load %arg7[%swap3A_115] {strides = array<i32>} : memref<1024xf32, #tpu.memory_space<vmem>>, vector<16xf32>,
    %swap3A_117 = vector.shape_cast %swap3A_116 : vector<16xf32> to vector<16xf32>
    %swap3A_118 = vector.shape_cast %broadcast_in_dim3A_1 : vector<16xf32> to vector<16xf32>
    tpu.vector_store %arg7[%swap3A_115], %swap3A_118 {strides = array<i32>} : memref<1024xf32, #tpu.memory_space<vmem>>, vector<16xf32>,
    %swap3A_119 = arith.constant 240 : index
    %swap3A_120 = tpu.vector_load %arg7[%swap3A_119] {strides = array<i32>} : memref<1024xf32, #tpu.memory_space<vmem>>, vector<16xf32>,
    %swap3A_121 = vector.shape_cast %swap3A_120 : vector<16xf32> to vector<16xf32>
    %swap3A_122 = vector.shape_cast %broadcast_in_dim3A_1 : vector<16xf32> to vector<16xf32>
    tpu.vector_store %arg7[%swap3A_119], %swap3A_122 {strides = array<i32>} : memref<1024xf32, #tpu.memory_space<vmem>>, vector<16xf32>,
    %swap3A_123 = arith.constant 256 : index
    %swap3A_124 = tpu.vector_load %arg7[%swap3A_123] {strides = array<i32>} : memref<1024xf32, #tpu.memory_space<vmem>>, vector<16xf32>,
    %swap3A_125 = vector.shape_cast %swap3A_124 : vector<16xf32> to vector<16xf32>
    %swap3A_126 = vector.shape_cast %broadcast_in_dim3A_1 : vector<16xf32> to vector<16xf32>
    tpu.vector_store %arg7[%swap3A_123], %swap3A_126 {strides = array<i32>} : memref<1024xf32, #tpu.memory_space<vmem>>, vector<16xf32>,
    %swap3A_127 = arith.constant 272 : index
    %swap3A_128 = tpu.vector_load %arg7[%swap3A_127] {strides = array<i32>} : memref<1024xf32, #tpu.memory_space<vmem>>, vector<16xf32>,
    %swap3A_129 = vector.shape_cast %swap3A_128 : vector<16xf32> to vector<16xf32>
    %swap3A_130 = vector.shape_cast %broadcast_in_dim3A_1 : vector<16xf32> to vector<16xf32>
    tpu.vector_store %arg7[%swap3A_127], %swap3A_130 {strides = array<i32>} : memref<1024xf32, #tpu.memory_space<vmem>>, vector<16xf32>,
    %swap3A_131 = arith.constant 288 : index
    %swap3A_132 = tpu.vector_load %arg7[%swap3A_131] {strides = array<i32>} : memref<1024xf32, #tpu.memory_space<vmem>>, vector<16xf32>,
    %swap3A_133 = vector.shape_cast %swap3A_132 : vector<16xf32> to vector<16xf32>
    %swap3A_134 = vector.shape_cast %broadcast_in_dim3A_1 : vector<16xf32> to vector<16xf32>
    tpu.vector_store %arg7[%swap3A_131], %swap3A_134 {strides = array<i32>} : memref<1024xf32, #tpu.memory_space<vmem>>, vector<16xf32>,
    %swap3A_135 = arith.constant 304 : index
    %swap3A_136 = tpu.vector_load %arg7[%swap3A_135] {strides = array<i32>} : memref<1024xf32, #tpu.memory_space<vmem>>, vector<16xf32>,
    %swap3A_137 = vector.shape_cast %swap3A_136 : vector<16xf32> to vector<16xf32>
    %swap3A_138 = vector.shape_cast %broadcast_in_dim3A_1 : vector<16xf32> to vector<16xf32>
    tpu.vector_store %arg7[%swap3A_135], %swap3A_138 {strides = array<i32>} : memref<1024xf32, #tpu.memory_space<vmem>>, vector<16xf32>,
    %swap3A_139 = arith.constant 320 : index
    %swap3A_140 = tpu.vector_load %arg7[%swap3A_139] {strides = array<i32>} : memref<1024xf32, #tpu.memory_space<vmem>>, vector<16xf32>,
    %swap3A_141 = vector.shape_cast %swap3A_140 : vector<16xf32> to vector<16xf32>
    %swap3A_142 = vector.shape_cast %broadcast_in_dim3A_1 : vector<16xf32> to vector<16xf32>
    tpu.vector_store %arg7[%swap3A_139], %swap3A_142 {strides = array<i32>} : memref<1024xf32, #tpu.memory_space<vmem>>, vector<16xf32>,
    %swap3A_143 = arith.constant 336 : index
    %swap3A_144 = tpu.vector_load %arg7[%swap3A_143] {strides = array<i32>} : memref<1024xf32, #tpu.memory_space<vmem>>, vector<16xf32>,
    %swap3A_145 = vector.shape_cast %swap3A_144 : vector<16xf32> to vector<16xf32>
    %swap3A_146 = vector.shape_cast %broadcast_in_dim3A_1 : vector<16xf32> to vector<16xf32>
    tpu.vector_store %arg7[%swap3A_143], %swap3A_146 {strides = array<i32>} : memref<1024xf32, #tpu.memory_space<vmem>>, vector<16xf32>,
    %swap3A_147 = arith.constant 352 : index
    %swap3A_148 = tpu.vector_load %arg7[%swap3A_147] {strides = array<i32>} : memref<1024xf32, #tpu.memory_space<vmem>>, vector<16xf32>,
    %swap3A_149 = vector.shape_cast %swap3A_148 : vector<16xf32> to vector<16xf32>
    %swap3A_150 = vector.shape_cast %broadcast_in_dim3A_1 : vector<16xf32> to vector<16xf32>
    tpu.vector_store %arg7[%swap3A_147], %swap3A_150 {strides = array<i32>} : memref<1024xf32, #tpu.memory_space<vmem>>, vector<16xf32>,
    %swap3A_151 = arith.constant 368 : index
    %swap3A_152 = tpu.vector_load %arg7[%swap3A_151] {strides = array<i32>} : memref<1024xf32, #tpu.memory_space<vmem>>, vector<16xf32>,
    %swap3A_153 = vector.shape_cast %swap3A_152 : vector<16xf32> to vector<16xf32>
    %swap3A_154 = vector.shape_cast %broadcast_in_dim3A_1 : vector<16xf32> to vector<16xf32>
    tpu.vector_store %arg7[%swap3A_151], %swap3A_154 {strides = array<i32>} : memref<1024xf32, #tpu.memory_space<vmem>>, vector<16xf32>,
    %swap3A_155 = arith.constant 384 : index
    %swap3A_156 = tpu.vector_load %arg7[%swap3A_155] {strides = array<i32>} : memref<1024xf32, #tpu.memory_space<vmem>>, vector<16xf32>,
    %swap3A_157 = vector.shape_cast %swap3A_156 : vector<16xf32> to vector<16xf32>
    %swap3A_158 = vector.shape_cast %broadcast_in_dim3A_1 : vector<16xf32> to vector<16xf32>
    tpu.vector_store %arg7[%swap3A_155], %swap3A_158 {strides = array<i32>} : memref<1024xf32, #tpu.memory_space<vmem>>, vector<16xf32>,
    %swap3A_159 = arith.constant 400 : index
    %swap3A_160 = tpu.vector_load %arg7[%swap3A_159] {strides = array<i32>} : memref<1024xf32, #tpu.memory_space<vmem>>, vector<16xf32>,
    %swap3A_161 = vector.shape_cast %swap3A_160 : vector<16xf32> to vector<16xf32>
    %swap3A_162 = vector.shape_cast %broadcast_in_dim3A_1 : vector<16xf32> to vector<16xf32>
    tpu.vector_store %arg7[%swap3A_159], %swap3A_162 {strides = array<i32>} : memref<1024xf32, #tpu.memory_space<vmem>>, vector<16xf32>,
    %swap3A_163 = arith.constant 416 : index
    %swap3A_164 = tpu.vector_load %arg7[%swap3A_163] {strides = array<i32>} : memref<1024xf32, #tpu.memory_space<vmem>>, vector<16xf32>,
    %swap3A_165 = vector.shape_cast %swap3A_164 : vector<16xf32> to vector<16xf32>
    %swap3A_166 = vector.shape_cast %broadcast_in_dim3A_1 : vector<16xf32> to vector<16xf32>
    tpu.vector_store %arg7[%swap3A_163], %swap3A_166 {strides = array<i32>} : memref<1024xf32, #tpu.memory_space<vmem>>, vector<16xf32>,
    %swap3A_167 = arith.constant 432 : index
    %swap3A_168 = tpu.vector_load %arg7[%swap3A_167] {strides = array<i32>} : memref<1024xf32, #tpu.memory_space<vmem>>, vector<16xf32>,
    %swap3A_169 = vector.shape_cast %swap3A_168 : vector<16xf32> to vector<16xf32>
    %swap3A_170 = vector.shape_cast %broadcast_in_dim3A_1 : vector<16xf32> to vector<16xf32>
    tpu.vector_store %arg7[%swap3A_167], %swap3A_170 {strides = array<i32>} : memref<1024xf32, #tpu.memory_space<vmem>>, vector<16xf32>,
    %swap3A_171 = arith.constant 448 : index
    %swap3A_172 = tpu.vector_load %arg7[%swap3A_171] {strides = array<i32>} : memref<1024xf32, #tpu.memory_space<vmem>>, vector<16xf32>,
    %swap3A_173 = vector.shape_cast %swap3A_172 : vector<16xf32> to vector<16xf32>
    %swap3A_174 = vector.shape_cast %broadcast_in_dim3A_1 : vector<16xf32> to vector<16xf32>
    tpu.vector_store %arg7[%swap3A_171], %swap3A_174 {strides = array<i32>} : memref<1024xf32, #tpu.memory_space<vmem>>, vector<16xf32>,
    %swap3A_175 = arith.constant 464 : index
    %swap3A_176 = tpu.vector_load %arg7[%swap3A_175] {strides = array<i32>} : memref<1024xf32, #tpu.memory_space<vmem>>, vector<16xf32>,
    %swap3A_177 = vector.shape_cast %swap3A_176 : vector<16xf32> to vector<16xf32>
    %swap3A_178 = vector.shape_cast %broadcast_in_dim3A_1 : vector<16xf32> to vector<16xf32>
    tpu.vector_store %arg7[%swap3A_175], %swap3A_178 {strides = array<i32>} : memref<1024xf32, #tpu.memory_space<vmem>>, vector<16xf32>,
    %swap3A_179 = arith.constant 480 : index
    %swap3A_180 = tpu.vector_load %arg7[%swap3A_179] {strides = array<i32>} : memref<1024xf32, #tpu.memory_space<vmem>>, vector<16xf32>,
    %swap3A_181 = vector.shape_cast %swap3A_180 : vector<16xf32> to vector<16xf32>
    %swap3A_182 = vector.shape_cast %broadcast_in_dim3A_1 : vector<16xf32> to vector<16xf32>
    tpu.vector_store %arg7[%swap3A_179], %swap3A_182 {strides = array<i32>} : memref<1024xf32, #tpu.memory_space<vmem>>, vector<16xf32>,
    %swap3A_183 = arith.constant 496 : index
    %swap3A_184 = tpu.vector_load %arg7[%swap3A_183] {strides = array<i32>} : memref<1024xf32, #tpu.memory_space<vmem>>, vector<16xf32>,
    %swap3A_185 = vector.shape_cast %swap3A_184 : vector<16xf32> to vector<16xf32>
    %swap3A_186 = vector.shape_cast %broadcast_in_dim3A_1 : vector<16xf32> to vector<16xf32>
    tpu.vector_store %arg7[%swap3A_183], %swap3A_186 {strides = array<i32>} : memref<1024xf32, #tpu.memory_space<vmem>>, vector<16xf32>,
    %swap3A_187 = arith.constant 512 : index
    %swap3A_188 = tpu.vector_load %arg7[%swap3A_187] {strides = array<i32>} : memref<1024xf32, #tpu.memory_space<vmem>>, vector<16xf32>,
    %swap3A_189 = vector.shape_cast %swap3A_188 : vector<16xf32> to vector<16xf32>
    %swap3A_190 = vector.shape_cast %broadcast_in_dim3A_1 : vector<16xf32> to vector<16xf32>
    tpu.vector_store %arg7[%swap3A_187], %swap3A_190 {strides = array<i32>} : memref<1024xf32, #tpu.memory_space<vmem>>, vector<16xf32>,
    %swap3A_191 = arith.constant 528 : index
    %swap3A_192 = tpu.vector_load %arg7[%swap3A_191] {strides = array<i32>} : memref<1024xf32, #tpu.memory_space<vmem>>, vector<16xf32>,
    %swap3A_193 = vector.shape_cast %swap3A_192 : vector<16xf32> to vector<16xf32>
    %swap3A_194 = vector.shape_cast %broadcast_in_dim3A_1 : vector<16xf32> to vector<16xf32>
    tpu.vector_store %arg7[%swap3A_191], %swap3A_194 {strides = array<i32>} : memref<1024xf32, #tpu.memory_space<vmem>>, vector<16xf32>,
    %swap3A_195 = arith.constant 544 : index
    %swap3A_196 = tpu.vector_load %arg7[%swap3A_195] {strides = array<i32>} : memref<1024xf32, #tpu.memory_space<vmem>>, vector<16xf32>,
    %swap3A_197 = vector.shape_cast %swap3A_196 : vector<16xf32> to vector<16xf32>
    %swap3A_198 = vector.shape_cast %broadcast_in_dim3A_1 : vector<16xf32> to vector<16xf32>
    tpu.vector_store %arg7[%swap3A_195], %swap3A_198 {strides = array<i32>} : memref<1024xf32, #tpu.memory_space<vmem>>, vector<16xf32>,
    %swap3A_199 = arith.constant 560 : index
    %swap3A_200 = tpu.vector_load %arg7[%swap3A_199] {strides = array<i32>} : memref<1024xf32, #tpu.memory_space<vmem>>, vector<16xf32>,
    %swap3A_201 = vector.shape_cast %swap3A_200 : vector<16xf32> to vector<16xf32>
    %swap3A_202 = vector.shape_cast %broadcast_in_dim3A_1 : vector<16xf32> to vector<16xf32>
    tpu.vector_store %arg7[%swap3A_199], %swap3A_202 {strides = array<i32>} : memref<1024xf32, #tpu.memory_space<vmem>>, vector<16xf32>,
    %swap3A_203 = arith.constant 576 : index
    %swap3A_204 = tpu.vector_load %arg7[%swap3A_203] {strides = array<i32>} : memref<1024xf32, #tpu.memory_space<vmem>>, vector<16xf32>,
    %swap3A_205 = vector.shape_cast %swap3A_204 : vector<16xf32> to vector<16xf32>
    %swap3A_206 = vector.shape_cast %broadcast_in_dim3A_1 : vector<16xf32> to vector<16xf32>
    tpu.vector_store %arg7[%swap3A_203], %swap3A_206 {strides = array<i32>} : memref<1024xf32, #tpu.memory_space<vmem>>, vector<16xf32>,
    %swap3A_207 = arith.constant 592 : index
    %swap3A_208 = tpu.vector_load %arg7[%swap3A_207] {strides = array<i32>} : memref<1024xf32, #tpu.memory_space<vmem>>, vector<16xf32>,
    %swap3A_209 = vector.shape_cast %swap3A_208 : vector<16xf32> to vector<16xf32>
    %swap3A_210 = vector.shape_cast %broadcast_in_dim3A_1 : vector<16xf32> to vector<16xf32>
    tpu.vector_store %arg7[%swap3A_207], %swap3A_210 {strides = array<i32>} : memref<1024xf32, #tpu.memory_space<vmem>>, vector<16xf32>,
    %swap3A_211 = arith.constant 608 : index
    %swap3A_212 = tpu.vector_load %arg7[%swap3A_211] {strides = array<i32>} : memref<1024xf32, #tpu.memory_space<vmem>>, vector<16xf32>,
    %swap3A_213 = vector.shape_cast %swap3A_212 : vector<16xf32> to vector<16xf32>
    %swap3A_214 = vector.shape_cast %broadcast_in_dim3A_1 : vector<16xf32> to vector<16xf32>
    tpu.vector_store %arg7[%swap3A_211], %swap3A_214 {strides = array<i32>} : memref<1024xf32, #tpu.memory_space<vmem>>, vector<16xf32>,
    %swap3A_215 = arith.constant 624 : index
    %swap3A_216 = tpu.vector_load %arg7[%swap3A_215] {strides = array<i32>} : memref<1024xf32, #tpu.memory_space<vmem>>, vector<16xf32>,
    %swap3A_217 = vector.shape_cast %swap3A_216 : vector<16xf32> to vector<16xf32>
    %swap3A_218 = vector.shape_cast %broadcast_in_dim3A_1 : vector<16xf32> to vector<16xf32>
    tpu.vector_store %arg7[%swap3A_215], %swap3A_218 {strides = array<i32>} : memref<1024xf32, #tpu.memory_space<vmem>>, vector<16xf32>,
    %swap3A_219 = arith.constant 640 : index
    %swap3A_220 = tpu.vector_load %arg7[%swap3A_219] {strides = array<i32>} : memref<1024xf32, #tpu.memory_space<vmem>>, vector<16xf32>,
    %swap3A_221 = vector.shape_cast %swap3A_220 : vector<16xf32> to vector<16xf32>
    %swap3A_222 = vector.shape_cast %broadcast_in_dim3A_1 : vector<16xf32> to vector<16xf32>
    tpu.vector_store %arg7[%swap3A_219], %swap3A_222 {strides = array<i32>} : memref<1024xf32, #tpu.memory_space<vmem>>, vector<16xf32>,
    %swap3A_223 = arith.constant 656 : index
    %swap3A_224 = tpu.vector_load %arg7[%swap3A_223] {strides = array<i32>} : memref<1024xf32, #tpu.memory_space<vmem>>, vector<16xf32>,
    %swap3A_225 = vector.shape_cast %swap3A_224 : vector<16xf32> to vector<16xf32>
    %swap3A_226 = vector.shape_cast %broadcast_in_dim3A_1 : vector<16xf32> to vector<16xf32>
    tpu.vector_store %arg7[%swap3A_223], %swap3A_226 {strides = array<i32>} : memref<1024xf32, #tpu.memory_space<vmem>>, vector<16xf32>,
    %swap3A_227 = arith.constant 672 : index
    %swap3A_228 = tpu.vector_load %arg7[%swap3A_227] {strides = array<i32>} : memref<1024xf32, #tpu.memory_space<vmem>>, vector<16xf32>,
    %swap3A_229 = vector.shape_cast %swap3A_228 : vector<16xf32> to vector<16xf32>
    %swap3A_230 = vector.shape_cast %broadcast_in_dim3A_1 : vector<16xf32> to vector<16xf32>
    tpu.vector_store %arg7[%swap3A_227], %swap3A_230 {strides = array<i32>} : memref<1024xf32, #tpu.memory_space<vmem>>, vector<16xf32>,
    %swap3A_231 = arith.constant 688 : index
    %swap3A_232 = tpu.vector_load %arg7[%swap3A_231] {strides = array<i32>} : memref<1024xf32, #tpu.memory_space<vmem>>, vector<16xf32>,
    %swap3A_233 = vector.shape_cast %swap3A_232 : vector<16xf32> to vector<16xf32>
    %swap3A_234 = vector.shape_cast %broadcast_in_dim3A_1 : vector<16xf32> to vector<16xf32>
    tpu.vector_store %arg7[%swap3A_231], %swap3A_234 {strides = array<i32>} : memref<1024xf32, #tpu.memory_space<vmem>>, vector<16xf32>,
    %swap3A_235 = arith.constant 704 : index
    %swap3A_236 = tpu.vector_load %arg7[%swap3A_235] {strides = array<i32>} : memref<1024xf32, #tpu.memory_space<vmem>>, vector<16xf32>,
    %swap3A_237 = vector.shape_cast %swap3A_236 : vector<16xf32> to vector<16xf32>
    %swap3A_238 = vector.shape_cast %broadcast_in_dim3A_1 : vector<16xf32> to vector<16xf32>
    tpu.vector_store %arg7[%swap3A_235], %swap3A_238 {strides = array<i32>} : memref<1024xf32, #tpu.memory_space<vmem>>, vector<16xf32>,
    %swap3A_239 = arith.constant 720 : index
    %swap3A_240 = tpu.vector_load %arg7[%swap3A_239] {strides = array<i32>} : memref<1024xf32, #tpu.memory_space<vmem>>, vector<16xf32>,
    %swap3A_241 = vector.shape_cast %swap3A_240 : vector<16xf32> to vector<16xf32>
    %swap3A_242 = vector.shape_cast %broadcast_in_dim3A_1 : vector<16xf32> to vector<16xf32>
    tpu.vector_store %arg7[%swap3A_239], %swap3A_242 {strides = array<i32>} : memref<1024xf32, #tpu.memory_space<vmem>>, vector<16xf32>,
    %swap3A_243 = arith.constant 736 : index
    %swap3A_244 = tpu.vector_load %arg7[%swap3A_243] {strides = array<i32>} : memref<1024xf32, #tpu.memory_space<vmem>>, vector<16xf32>,
    %swap3A_245 = vector.shape_cast %swap3A_244 : vector<16xf32> to vector<16xf32>
    %swap3A_246 = vector.shape_cast %broadcast_in_dim3A_1 : vector<16xf32> to vector<16xf32>
    tpu.vector_store %arg7[%swap3A_243], %swap3A_246 {strides = array<i32>} : memref<1024xf32, #tpu.memory_space<vmem>>, vector<16xf32>,
    %swap3A_247 = arith.constant 752 : index
    %swap3A_248 = tpu.vector_load %arg7[%swap3A_247] {strides = array<i32>} : memref<1024xf32, #tpu.memory_space<vmem>>, vector<16xf32>,
    %swap3A_249 = vector.shape_cast %swap3A_248 : vector<16xf32> to vector<16xf32>
    %swap3A_250 = vector.shape_cast %broadcast_in_dim3A_1 : vector<16xf32> to vector<16xf32>
    tpu.vector_store %arg7[%swap3A_247], %swap3A_250 {strides = array<i32>} : memref<1024xf32, #tpu.memory_space<vmem>>, vector<16xf32>,
    %swap3A_251 = arith.constant 768 : index
    %swap3A_252 = tpu.vector_load %arg7[%swap3A_251] {strides = array<i32>} : memref<1024xf32, #tpu.memory_space<vmem>>, vector<16xf32>,
    %swap3A_253 = vector.shape_cast %swap3A_252 : vector<16xf32> to vector<16xf32>
    %swap3A_254 = vector.shape_cast %broadcast_in_dim3A_1 : vector<16xf32> to vector<16xf32>
    tpu.vector_store %arg7[%swap3A_251], %swap3A_254 {strides = array<i32>} : memref<1024xf32, #tpu.memory_space<vmem>>, vector<16xf32>,
    %swap3A_255 = arith.constant 784 : index
    %swap3A_256 = tpu.vector_load %arg7[%swap3A_255] {strides = array<i32>} : memref<1024xf32, #tpu.memory_space<vmem>>, vector<16xf32>,
    %swap3A_257 = vector.shape_cast %swap3A_256 : vector<16xf32> to vector<16xf32>
    %swap3A_258 = vector.shape_cast %broadcast_in_dim3A_1 : vector<16xf32> to vector<16xf32>
    tpu.vector_store %arg7[%swap3A_255], %swap3A_258 {strides = array<i32>} : memref<1024xf32, #tpu.memory_space<vmem>>, vector<16xf32>,
    %swap3A_259 = arith.constant 800 : index
    %swap3A_260 = tpu.vector_load %arg7[%swap3A_259] {strides = array<i32>} : memref<1024xf32, #tpu.memory_space<vmem>>, vector<16xf32>,
    %swap3A_261 = vector.shape_cast %swap3A_260 : vector<16xf32> to vector<16xf32>
    %swap3A_262 = vector.shape_cast %broadcast_in_dim3A_1 : vector<16xf32> to vector<16xf32>
    tpu.vector_store %arg7[%swap3A_259], %swap3A_262 {strides = array<i32>} : memref<1024xf32, #tpu.memory_space<vmem>>, vector<16xf32>,
    %swap3A_263 = arith.constant 816 : index
    %swap3A_264 = tpu.vector_load %arg7[%swap3A_263] {strides = array<i32>} : memref<1024xf32, #tpu.memory_space<vmem>>, vector<16xf32>,
    %swap3A_265 = vector.shape_cast %swap3A_264 : vector<16xf32> to vector<16xf32>
    %swap3A_266 = vector.shape_cast %broadcast_in_dim3A_1 : vector<16xf32> to vector<16xf32>
    tpu.vector_store %arg7[%swap3A_263], %swap3A_266 {strides = array<i32>} : memref<1024xf32, #tpu.memory_space<vmem>>, vector<16xf32>,
    %swap3A_267 = arith.constant 832 : index
    %swap3A_268 = tpu.vector_load %arg7[%swap3A_267] {strides = array<i32>} : memref<1024xf32, #tpu.memory_space<vmem>>, vector<16xf32>,
    %swap3A_269 = vector.shape_cast %swap3A_268 : vector<16xf32> to vector<16xf32>
    %swap3A_270 = vector.shape_cast %broadcast_in_dim3A_1 : vector<16xf32> to vector<16xf32>
    tpu.vector_store %arg7[%swap3A_267], %swap3A_270 {strides = array<i32>} : memref<1024xf32, #tpu.memory_space<vmem>>, vector<16xf32>,
    %swap3A_271 = arith.constant 848 : index
    %swap3A_272 = tpu.vector_load %arg7[%swap3A_271] {strides = array<i32>} : memref<1024xf32, #tpu.memory_space<vmem>>, vector<16xf32>,
    %swap3A_273 = vector.shape_cast %swap3A_272 : vector<16xf32> to vector<16xf32>
    %swap3A_274 = vector.shape_cast %broadcast_in_dim3A_1 : vector<16xf32> to vector<16xf32>
    tpu.vector_store %arg7[%swap3A_271], %swap3A_274 {strides = array<i32>} : memref<1024xf32, #tpu.memory_space<vmem>>, vector<16xf32>,
    %swap3A_275 = arith.constant 864 : index
    %swap3A_276 = tpu.vector_load %arg7[%swap3A_275] {strides = array<i32>} : memref<1024xf32, #tpu.memory_space<vmem>>, vector<16xf32>,
    %swap3A_277 = vector.shape_cast %swap3A_276 : vector<16xf32> to vector<16xf32>
    %swap3A_278 = vector.shape_cast %broadcast_in_dim3A_1 : vector<16xf32> to vector<16xf32>
    tpu.vector_store %arg7[%swap3A_275], %swap3A_278 {strides = array<i32>} : memref<1024xf32, #tpu.memory_space<vmem>>, vector<16xf32>,
    %swap3A_279 = arith.constant 880 : index
    %swap3A_280 = tpu.vector_load %arg7[%swap3A_279] {strides = array<i32>} : memref<1024xf32, #tpu.memory_space<vmem>>, vector<16xf32>,
    %swap3A_281 = vector.shape_cast %swap3A_280 : vector<16xf32> to vector<16xf32>
    %swap3A_282 = vector.shape_cast %broadcast_in_dim3A_1 : vector<16xf32> to vector<16xf32>
    tpu.vector_store %arg7[%swap3A_279], %swap3A_282 {strides = array<i32>} : memref<1024xf32, #tpu.memory_space<vmem>>, vector<16xf32>,
    %swap3A_283 = arith.constant 896 : index
    %swap3A_284 = tpu.vector_load %arg7[%swap3A_283] {strides = array<i32>} : memref<1024xf32, #tpu.memory_space<vmem>>, vector<16xf32>,
    %swap3A_285 = vector.shape_cast %swap3A_284 : vector<16xf32> to vector<16xf32>
    %swap3A_286 = vector.shape_cast %broadcast_in_dim3A_1 : vector<16xf32> to vector<16xf32>
    tpu.vector_store %arg7[%swap3A_283], %swap3A_286 {strides = array<i32>} : memref<1024xf32, #tpu.memory_space<vmem>>, vector<16xf32>,
    %swap3A_287 = arith.constant 912 : index
    %swap3A_288 = tpu.vector_load %arg7[%swap3A_287] {strides = array<i32>} : memref<1024xf32, #tpu.memory_space<vmem>>, vector<16xf32>,
    %swap3A_289 = vector.shape_cast %swap3A_288 : vector<16xf32> to vector<16xf32>
    %swap3A_290 = vector.shape_cast %broadcast_in_dim3A_1 : vector<16xf32> to vector<16xf32>
    tpu.vector_store %arg7[%swap3A_287], %swap3A_290 {strides = array<i32>} : memref<1024xf32, #tpu.memory_space<vmem>>, vector<16xf32>,
    %swap3A_291 = arith.constant 928 : index
    %swap3A_292 = tpu.vector_load %arg7[%swap3A_291] {strides = array<i32>} : memref<1024xf32, #tpu.memory_space<vmem>>, vector<16xf32>,
    %swap3A_293 = vector.shape_cast %swap3A_292 : vector<16xf32> to vector<16xf32>
    %swap3A_294 = vector.shape_cast %broadcast_in_dim3A_1 : vector<16xf32> to vector<16xf32>
    tpu.vector_store %arg7[%swap3A_291], %swap3A_294 {strides = array<i32>} : memref<1024xf32, #tpu.memory_space<vmem>>, vector<16xf32>,
    %swap3A_295 = arith.constant 944 : index
    %swap3A_296 = tpu.vector_load %arg7[%swap3A_295] {strides = array<i32>} : memref<1024xf32, #tpu.memory_space<vmem>>, vector<16xf32>,
    %swap3A_297 = vector.shape_cast %swap3A_296 : vector<16xf32> to vector<16xf32>
    %swap3A_298 = vector.shape_cast %broadcast_in_dim3A_1 : vector<16xf32> to vector<16xf32>
    tpu.vector_store %arg7[%swap3A_295], %swap3A_298 {strides = array<i32>} : memref<1024xf32, #tpu.memory_space<vmem>>, vector<16xf32>,
    %swap3A_299 = arith.constant 960 : index
    %swap3A_300 = tpu.vector_load %arg7[%swap3A_299] {strides = array<i32>} : memref<1024xf32, #tpu.memory_space<vmem>>, vector<16xf32>,
    %swap3A_301 = vector.shape_cast %swap3A_300 : vector<16xf32> to vector<16xf32>
    %swap3A_302 = vector.shape_cast %broadcast_in_dim3A_1 : vector<16xf32> to vector<16xf32>
    tpu.vector_store %arg7[%swap3A_299], %swap3A_302 {strides = array<i32>} : memref<1024xf32, #tpu.memory_space<vmem>>, vector<16xf32>,
    %swap3A_303 = arith.constant 976 : index
    %swap3A_304 = tpu.vector_load %arg7[%swap3A_303] {strides = array<i32>} : memref<1024xf32, #tpu.memory_space<vmem>>, vector<16xf32>,
    %swap3A_305 = vector.shape_cast %swap3A_304 : vector<16xf32> to vector<16xf32>
    %swap3A_306 = vector.shape_cast %broadcast_in_dim3A_1 : vector<16xf32> to vector<16xf32>
    tpu.vector_store %arg7[%swap3A_303], %swap3A_306 {strides = array<i32>} : memref<1024xf32, #tpu.memory_space<vmem>>, vector<16xf32>,
    %swap3A_307 = arith.constant 992 : index
    %swap3A_308 = tpu.vector_load %arg7[%swap3A_307] {strides = array<i32>} : memref<1024xf32, #tpu.memory_space<vmem>>, vector<16xf32>,
    %swap3A_309 = vector.shape_cast %swap3A_308 : vector<16xf32> to vector<16xf32>
    %swap3A_310 = vector.shape_cast %broadcast_in_dim3A_1 : vector<16xf32> to vector<16xf32>
    tpu.vector_store %arg7[%swap3A_307], %swap3A_310 {strides = array<i32>} : memref<1024xf32, #tpu.memory_space<vmem>>, vector<16xf32>,
    %swap3A_311 = arith.constant 1008 : index
    %swap3A_312 = tpu.vector_load %arg7[%swap3A_311] {strides = array<i32>} : memref<1024xf32, #tpu.memory_space<vmem>>, vector<16xf32>,
    %swap3A_313 = vector.shape_cast %swap3A_312 : vector<16xf32> to vector<16xf32>
    %swap3A_314 = vector.shape_cast %broadcast_in_dim3A_1 : vector<16xf32> to vector<16xf32>
    tpu.vector_store %arg7[%swap3A_311], %swap3A_314 {strides = array<i32>} : memref<1024xf32, #tpu.memory_space<vmem>>, vector<16xf32>,
    %lt3A_315 = arith.constant 10 : i32
    %lt3A_316 = arith.cmpi slt, %arg1, %lt3A_315 : i32
    %convert_element_type3A = arith.extui %lt3A_316 : i1 to i32
    %cond3A = arith.constant 0 : i32
    %cond3A_317 = arith.cmpi ne, %convert_element_type3A, %cond3A : i32
    scf.if %cond3A_317 {
      %mul3A_328 = arith.constant 1000 : i32
      %mul3A_329 = arith.muli %arg1, %mul3A_328 : i32
      "tpu.region"() ({
        %run_scoped3A = tpu.sem_alloc : memref<!tpu.dma_semaphore, #tpu.memory_space<semaphore_mem>>
        %dma_start3A = arith.constant 0 : i32
        %dma_start3A_330 = tpu.memref_slice %arg7[%dma_start3A] : memref<1024xf32, #tpu.memory_space<vmem>> -> memref<1000xf32, #tpu.memory_space<vmem>>
        %dma_start3A_331 = tpu.memref_slice %arg4[%mul3A_329] : memref<10000xf32, #tpu.memory_space<vmem_shared>> -> memref<1000xf32, #tpu.memory_space<vmem_shared>>
        %dma_start3A_332 = tpu.memref_slice %arg4[%mul3A_329] : memref<10000xf32, #tpu.memory_space<vmem_shared>> -> memref<1000xf32, #tpu.memory_space<vmem_shared>>
        %dma_start3A_333 = arith.constant 0 : i32
        %dma_start3A_334 = tpu.memref_slice %arg7[%dma_start3A_333] : memref<1024xf32, #tpu.memory_space<vmem>> -> memref<1000xf32, #tpu.memory_space<vmem>>
        tpu.enqueue_dma source(%dma_start3A_334 : memref<1000xf32, #tpu.memory_space<vmem>>) target(%dma_start3A_332 : memref<1000xf32, #tpu.memory_space<vmem_shared>>) target_semaphore(%run_scoped3A : memref<!tpu.dma_semaphore, #tpu.memory_space<semaphore_mem>>)
        %dma_wait3A = arith.constant 0 : i32
        %dma_wait3A_335 = tpu.memref_slice %arg7[%dma_wait3A] : memref<1024xf32, #tpu.memory_space<vmem>> -> memref<1000xf32, #tpu.memory_space<vmem>>
        %dma_wait3A_336 = tpu.memref_slice %arg4[%mul3A_329] : memref<10000xf32, #tpu.memory_space<vmem_shared>> -> memref<1000xf32, #tpu.memory_space<vmem_shared>>
        %dma_wait3A_337 = tpu.memref_slice %arg4[%mul3A_329] : memref<10000xf32, #tpu.memory_space<vmem_shared>> -> memref<1000xf32, #tpu.memory_space<vmem_shared>>
        %dma_wait3A_338 = arith.constant 0 : i32
        %dma_wait3A_339 = tpu.memref_slice %arg7[%dma_wait3A_338] : memref<1024xf32, #tpu.memory_space<vmem>> -> memref<1000xf32, #tpu.memory_space<vmem>>
        tpu.wait_dma2 semaphore(%run_scoped3A : memref<!tpu.dma_semaphore, #tpu.memory_space<semaphore_mem>>) src(%dma_wait3A_339 : memref<1000xf32, #tpu.memory_space<vmem>>) dst(%dma_wait3A_337 : memref<1000xf32, #tpu.memory_space<vmem_shared>>)
        tpu.yield
      }) : () -> ()
    } else {
    }
    %barrier3A = arith.constant 0 : index
    tpu.barrier barrier_id(%barrier3A)
    %scan3A = arith.constant 0 : i32
    %scan3A_318 = arith.constant 0 : i32
    %scan3A_319 = arith.constant 80 : i32
    %scan3A_320 = arith.addi %scan3A_318, %scan3A_319 : i32
    %scan3A_321 = arith.constant 1 : i32
    scf.for %scan3A_328 = %scan3A_318 to %scan3A_320 step %scan3A_321  : i32 {
      "tpu.region"() ({
        %run_scoped3A = tpu.sem_alloc : memref<!tpu.dma_semaphore, #tpu.memory_space<semaphore_mem>>
        %dma_start3A = arith.constant 0 : i32
        %dma_start3A_329 = tpu.memref_slice %arg5[%scan3A_328, %dma_start3A] : memref<81x128xi32, #tpu.memory_space<vmem>> -> memref<1x128xi32, #tpu.memory_space<vmem>>
        %dma_start3A_330 = tpu.memref_squeeze %dma_start3A_329 : memref<1x128xi32, #tpu.memory_space<vmem>> -> memref<128xi32, #tpu.memory_space<vmem>>
        %dma_start3A_331 = arith.constant 0 : i32
        %dma_start3A_332 = tpu.memref_slice %arg4[%dma_start3A_331] : memref<10000xf32, #tpu.memory_space<vmem_shared>> -> memref<10000xf32, #tpu.memory_space<vmem_shared>>
        tpu.enqueue_indirect_dma source(%arg6 : memref<128xf32, #tpu.memory_space<vmem>>) target(%dma_start3A_332 : memref<10000xf32, #tpu.memory_space<vmem_shared>>) offsets(%dma_start3A_330 : memref<128xi32, #tpu.memory_space<vmem>>) semaphore(%run_scoped3A : memref<!tpu.dma_semaphore, #tpu.memory_space<semaphore_mem>>) {add = true}
        %dma_wait3A = arith.constant 0 : i32
        %dma_wait3A_333 = tpu.memref_slice %arg5[%scan3A_328, %dma_wait3A] : memref<81x128xi32, #tpu.memory_space<vmem>> -> memref<1x128xi32, #tpu.memory_space<vmem>>
        %dma_wait3A_334 = tpu.memref_squeeze %dma_wait3A_333 : memref<1x128xi32, #tpu.memory_space<vmem>> -> memref<128xi32, #tpu.memory_space<vmem>>
        %dma_wait3A_335 = arith.constant 0 : i32
        %dma_wait3A_336 = tpu.memref_slice %arg4[%dma_wait3A_335] : memref<10000xf32, #tpu.memory_space<vmem_shared>> -> memref<10000xf32, #tpu.memory_space<vmem_shared>>
        tpu.wait_indirect_dma semaphore(%run_scoped3A : memref<!tpu.dma_semaphore, #tpu.memory_space<semaphore_mem>>) src(%arg6 : memref<128xf32, #tpu.memory_space<vmem>>) dst(%dma_wait3A_336 : memref<10000xf32, #tpu.memory_space<vmem_shared>>)
        tpu.yield
      }) : () -> ()
    }
    %scan3A_322 = arith.constant 80 : i32
    %barrier3A_323 = arith.constant 0 : index
    tpu.barrier barrier_id(%barrier3A_323)
    %eq3A = arith.constant 0 : i32
    %eq3A_324 = arith.cmpi eq, %arg1, %eq3A : i32
    %convert_element_type3A_325 = arith.extui %eq3A_324 : i1 to i32
    %cond3A_326 = arith.constant 0 : i32
    %cond3A_327 = arith.cmpi ne, %convert_element_type3A_325, %cond3A_326 : i32
    scf.if %cond3A_327 {
      "tpu.region"() ({
        %run_scoped3A = tpu.sem_alloc : memref<!tpu.dma_semaphore, #tpu.memory_space<semaphore_mem>>
        %dma_start3A = arith.constant 0 : i32
        %dma_start3A_328 = tpu.memref_slice %arg3[%arg0, %dma_start3A] : memref<2x10000xf32, #tpu.memory_space<hbm>> -> memref<1x10000xf32, #tpu.memory_space<hbm>>
        %dma_start3A_329 = tpu.memref_squeeze %dma_start3A_328 : memref<1x10000xf32, #tpu.memory_space<hbm>> -> memref<10000xf32, #tpu.memory_space<hbm>>
        tpu.enqueue_dma source(%arg4 : memref<10000xf32, #tpu.memory_space<vmem_shared>>) target(%dma_start3A_329 : memref<10000xf32, #tpu.memory_space<hbm>>) target_semaphore(%run_scoped3A : memref<!tpu.dma_semaphore, #tpu.memory_space<semaphore_mem>>)
        %dma_wait3A = arith.constant 0 : i32
        %dma_wait3A_330 = tpu.memref_slice %arg3[%arg0, %dma_wait3A] : memref<2x10000xf32, #tpu.memory_space<hbm>> -> memref<1x10000xf32, #tpu.memory_space<hbm>>
        %dma_wait3A_331 = tpu.memref_squeeze %dma_wait3A_330 : memref<1x10000xf32, #tpu.memory_space<hbm>> -> memref<10000xf32, #tpu.memory_space<hbm>>
        tpu.wait_dma2 semaphore(%run_scoped3A : memref<!tpu.dma_semaphore, #tpu.memory_space<semaphore_mem>>) src(%arg4 : memref<10000xf32, #tpu.memory_space<vmem_shared>>) dst(%dma_wait3A_331 : memref<10000xf32, #tpu.memory_space<hbm>>)
        tpu.yield
      }) : () -> ()
    } else {
    }
    return
  }
}

#map = affine_map<(d0, d1) -> (0, 0)>
#map1 = affine_map<(d0, d1) -> (0, 0, 0)>
module attributes {stable_mosaic.version = 14 : i64} {
  func.func @_agg_kernel(%arg0: i32, %arg1: i32, %arg2: memref<10240x128xf32, #tpu.memory_space<hbm>>, %arg3: memref<32x81x128xi32, #tpu.memory_space<hbm>>, %arg4: memref<32x81x128xi32, #tpu.memory_space<hbm>>, %arg5: memref<2x10000x128xf32, #tpu.memory_space<hbm>>, %arg6: memref<10000x128xf32, #tpu.memory_space<vmem_shared>>, %arg7: memref<3x128xi32, #tpu.memory_space<vmem>>, %arg8: memref<3x128xi32, #tpu.memory_space<vmem>>, %arg9: memref<128x128xf32, #tpu.memory_space<vmem>>, %arg10: memref<128x128xf32, #tpu.memory_space<vmem>>, %arg11: memref<128x128xf32, #tpu.memory_space<vmem>>, %arg12: memref<!tpu.dma_semaphore, #tpu.memory_space<semaphore_mem>>, %arg13: memref<!tpu.dma_semaphore, #tpu.memory_space<semaphore_mem>>, %arg14: memref<!tpu.dma_semaphore, #tpu.memory_space<semaphore_mem>>, %arg15: memref<!tpu.dma_semaphore, #tpu.memory_space<semaphore_mem>>, %arg16: memref<!tpu.dma_semaphore, #tpu.memory_space<semaphore_mem>>, %arg17: memref<!tpu.dma_semaphore, #tpu.memory_space<semaphore_mem>>) attributes {dimension_semantics = [#tpu.dimension_semantics<core_parallel>, #tpu.dimension_semantics<subcore_parallel>], iteration_bounds = array<i64: 2, 16>, scalar_prefetch = 0 : i64, scratch_operands = 12 : i64, tpu.core_type = #tpu.core_type<sc_vector_subcore>, window_params = [{transform_indices = #map}, {transform_indices = #map1}, {transform_indices = #map1}, {transform_indices = #map1}]} {
    %mul3A = arith.constant 16 : i32
    %mul3A_0 = arith.muli %arg0, %mul3A : i32
    %add3A = arith.addi %mul3A_0, %arg1 : i32
    %broadcast_in_dim3A = arith.constant 0.000000e+00 : f32
    %broadcast_in_dim3A_1 = vector.broadcast %broadcast_in_dim3A : f32 to vector<16xf32>
    %scan3A = arith.constant 0 : i32
    %scan3A_2 = arith.constant 0 : i32
    %scan3A_3 = arith.constant 104 : i32
    %scan3A_4 = arith.addi %scan3A_2, %scan3A_3 : i32
    %scan3A_5 = arith.constant 1 : i32
    scf.for %scan3A_83 = %scan3A_2 to %scan3A_4 step %scan3A_5  : i32 {
      %swap3A = arith.index_cast %scan3A_83 : i32 to index
      %swap3A_84 = arith.constant 0 : index
      %swap3A_85 = tpu.vector_load %arg9[%swap3A, %swap3A_84] {strides = array<i32>} : memref<128x128xf32, #tpu.memory_space<vmem>>, vector<1x16xf32>,
      %swap3A_86 = vector.shape_cast %swap3A_85 : vector<1x16xf32> to vector<16xf32>
      %swap3A_87 = vector.shape_cast %broadcast_in_dim3A_1 : vector<16xf32> to vector<1x16xf32>
      tpu.vector_store %arg9[%swap3A, %swap3A_84], %swap3A_87 {strides = array<i32>} : memref<128x128xf32, #tpu.memory_space<vmem>>, vector<1x16xf32>,
      %swap3A_88 = arith.index_cast %scan3A_83 : i32 to index
      %swap3A_89 = arith.constant 16 : index
      %swap3A_90 = tpu.vector_load %arg9[%swap3A_88, %swap3A_89] {strides = array<i32>} : memref<128x128xf32, #tpu.memory_space<vmem>>, vector<1x16xf32>,
      %swap3A_91 = vector.shape_cast %swap3A_90 : vector<1x16xf32> to vector<16xf32>
      %swap3A_92 = vector.shape_cast %broadcast_in_dim3A_1 : vector<16xf32> to vector<1x16xf32>
      tpu.vector_store %arg9[%swap3A_88, %swap3A_89], %swap3A_92 {strides = array<i32>} : memref<128x128xf32, #tpu.memory_space<vmem>>, vector<1x16xf32>,
      %swap3A_93 = arith.index_cast %scan3A_83 : i32 to index
      %swap3A_94 = arith.constant 32 : index
      %swap3A_95 = tpu.vector_load %arg9[%swap3A_93, %swap3A_94] {strides = array<i32>} : memref<128x128xf32, #tpu.memory_space<vmem>>, vector<1x16xf32>,
      %swap3A_96 = vector.shape_cast %swap3A_95 : vector<1x16xf32> to vector<16xf32>
      %swap3A_97 = vector.shape_cast %broadcast_in_dim3A_1 : vector<16xf32> to vector<1x16xf32>
      tpu.vector_store %arg9[%swap3A_93, %swap3A_94], %swap3A_97 {strides = array<i32>} : memref<128x128xf32, #tpu.memory_space<vmem>>, vector<1x16xf32>,
      %swap3A_98 = arith.index_cast %scan3A_83 : i32 to index
      %swap3A_99 = arith.constant 48 : index
      %swap3A_100 = tpu.vector_load %arg9[%swap3A_98, %swap3A_99] {strides = array<i32>} : memref<128x128xf32, #tpu.memory_space<vmem>>, vector<1x16xf32>,
      %swap3A_101 = vector.shape_cast %swap3A_100 : vector<1x16xf32> to vector<16xf32>
      %swap3A_102 = vector.shape_cast %broadcast_in_dim3A_1 : vector<16xf32> to vector<1x16xf32>
      tpu.vector_store %arg9[%swap3A_98, %swap3A_99], %swap3A_102 {strides = array<i32>} : memref<128x128xf32, #tpu.memory_space<vmem>>, vector<1x16xf32>,
      %swap3A_103 = arith.index_cast %scan3A_83 : i32 to index
      %swap3A_104 = arith.constant 64 : index
      %swap3A_105 = tpu.vector_load %arg9[%swap3A_103, %swap3A_104] {strides = array<i32>} : memref<128x128xf32, #tpu.memory_space<vmem>>, vector<1x16xf32>,
      %swap3A_106 = vector.shape_cast %swap3A_105 : vector<1x16xf32> to vector<16xf32>
      %swap3A_107 = vector.shape_cast %broadcast_in_dim3A_1 : vector<16xf32> to vector<1x16xf32>
      tpu.vector_store %arg9[%swap3A_103, %swap3A_104], %swap3A_107 {strides = array<i32>} : memref<128x128xf32, #tpu.memory_space<vmem>>, vector<1x16xf32>,
      %swap3A_108 = arith.index_cast %scan3A_83 : i32 to index
      %swap3A_109 = arith.constant 80 : index
      %swap3A_110 = tpu.vector_load %arg9[%swap3A_108, %swap3A_109] {strides = array<i32>} : memref<128x128xf32, #tpu.memory_space<vmem>>, vector<1x16xf32>,
      %swap3A_111 = vector.shape_cast %swap3A_110 : vector<1x16xf32> to vector<16xf32>
      %swap3A_112 = vector.shape_cast %broadcast_in_dim3A_1 : vector<16xf32> to vector<1x16xf32>
      tpu.vector_store %arg9[%swap3A_108, %swap3A_109], %swap3A_112 {strides = array<i32>} : memref<128x128xf32, #tpu.memory_space<vmem>>, vector<1x16xf32>,
      %swap3A_113 = arith.index_cast %scan3A_83 : i32 to index
      %swap3A_114 = arith.constant 96 : index
      %swap3A_115 = tpu.vector_load %arg9[%swap3A_113, %swap3A_114] {strides = array<i32>} : memref<128x128xf32, #tpu.memory_space<vmem>>, vector<1x16xf32>,
      %swap3A_116 = vector.shape_cast %swap3A_115 : vector<1x16xf32> to vector<16xf32>
      %swap3A_117 = vector.shape_cast %broadcast_in_dim3A_1 : vector<16xf32> to vector<1x16xf32>
      tpu.vector_store %arg9[%swap3A_113, %swap3A_114], %swap3A_117 {strides = array<i32>} : memref<128x128xf32, #tpu.memory_space<vmem>>, vector<1x16xf32>,
      %swap3A_118 = arith.index_cast %scan3A_83 : i32 to index
      %swap3A_119 = arith.constant 112 : index
      %swap3A_120 = tpu.vector_load %arg9[%swap3A_118, %swap3A_119] {strides = array<i32>} : memref<128x128xf32, #tpu.memory_space<vmem>>, vector<1x16xf32>,
      %swap3A_121 = vector.shape_cast %swap3A_120 : vector<1x16xf32> to vector<16xf32>
      %swap3A_122 = vector.shape_cast %broadcast_in_dim3A_1 : vector<16xf32> to vector<1x16xf32>
      tpu.vector_store %arg9[%swap3A_118, %swap3A_119], %swap3A_122 {strides = array<i32>} : memref<128x128xf32, #tpu.memory_space<vmem>>, vector<1x16xf32>,
    }
    %scan3A_6 = arith.constant 104 : i32
    %mul3A_7 = arith.constant 624 : i32
    %mul3A_8 = arith.muli %arg1, %mul3A_7 : i32
    %add3A_9 = arith.constant 0 : i32
    %add3A_10 = arith.addi %mul3A_8, %add3A_9 : i32
    "tpu.region"() ({
      %run_scoped3A_83 = tpu.sem_alloc : memref<!tpu.dma_semaphore, #tpu.memory_space<semaphore_mem>>
      %dma_start3A_84 = arith.constant 0 : i32
      %dma_start3A_85 = arith.constant 0 : i32
      %dma_start3A_86 = tpu.memref_slice %arg9[%dma_start3A_84, %dma_start3A_85] : memref<128x128xf32, #tpu.memory_space<vmem>> -> memref<104x128xf32, #tpu.memory_space<vmem>>
      %dma_start3A_87 = arith.constant 0 : i32
      %dma_start3A_88 = tpu.memref_slice %arg6[%add3A_10, %dma_start3A_87] : memref<10000x128xf32, #tpu.memory_space<vmem_shared>> -> memref<104x128xf32, #tpu.memory_space<vmem_shared>>
      %dma_start3A_89 = arith.constant 0 : i32
      %dma_start3A_90 = tpu.memref_slice %arg6[%add3A_10, %dma_start3A_89] : memref<10000x128xf32, #tpu.memory_space<vmem_shared>> -> memref<104x128xf32, #tpu.memory_space<vmem_shared>>
      %dma_start3A_91 = arith.constant 0 : i32
      %dma_start3A_92 = arith.constant 0 : i32
      %dma_start3A_93 = tpu.memref_slice %arg9[%dma_start3A_91, %dma_start3A_92] : memref<128x128xf32, #tpu.memory_space<vmem>> -> memref<104x128xf32, #tpu.memory_space<vmem>>
      tpu.enqueue_dma source(%dma_start3A_93 : memref<104x128xf32, #tpu.memory_space<vmem>>) target(%dma_start3A_90 : memref<104x128xf32, #tpu.memory_space<vmem_shared>>) target_semaphore(%run_scoped3A_83 : memref<!tpu.dma_semaphore, #tpu.memory_space<semaphore_mem>>)
      %dma_wait3A = arith.constant 0 : i32
      %dma_wait3A_94 = arith.constant 0 : i32
      %dma_wait3A_95 = tpu.memref_slice %arg9[%dma_wait3A, %dma_wait3A_94] : memref<128x128xf32, #tpu.memory_space<vmem>> -> memref<104x128xf32, #tpu.memory_space<vmem>>
      %dma_wait3A_96 = arith.constant 0 : i32
      %dma_wait3A_97 = tpu.memref_slice %arg6[%add3A_10, %dma_wait3A_96] : memref<10000x128xf32, #tpu.memory_space<vmem_shared>> -> memref<104x128xf32, #tpu.memory_space<vmem_shared>>
      %dma_wait3A_98 = arith.constant 0 : i32
      %dma_wait3A_99 = tpu.memref_slice %arg6[%add3A_10, %dma_wait3A_98] : memref<10000x128xf32, #tpu.memory_space<vmem_shared>> -> memref<104x128xf32, #tpu.memory_space<vmem_shared>>
      %dma_wait3A_100 = arith.constant 0 : i32
      %dma_wait3A_101 = arith.constant 0 : i32
      %dma_wait3A_102 = tpu.memref_slice %arg9[%dma_wait3A_100, %dma_wait3A_101] : memref<128x128xf32, #tpu.memory_space<vmem>> -> memref<104x128xf32, #tpu.memory_space<vmem>>
      tpu.wait_dma2 semaphore(%run_scoped3A_83 : memref<!tpu.dma_semaphore, #tpu.memory_space<semaphore_mem>>) src(%dma_wait3A_102 : memref<104x128xf32, #tpu.memory_space<vmem>>) dst(%dma_wait3A_99 : memref<104x128xf32, #tpu.memory_space<vmem_shared>>)
      tpu.yield
    }) : () -> ()
    %add3A_11 = arith.constant 104 : i32
    %add3A_12 = arith.addi %mul3A_8, %add3A_11 : i32
    "tpu.region"() ({
      %run_scoped3A_83 = tpu.sem_alloc : memref<!tpu.dma_semaphore, #tpu.memory_space<semaphore_mem>>
      %dma_start3A_84 = arith.constant 0 : i32
      %dma_start3A_85 = arith.constant 0 : i32
      %dma_start3A_86 = tpu.memref_slice %arg9[%dma_start3A_84, %dma_start3A_85] : memref<128x128xf32, #tpu.memory_space<vmem>> -> memref<104x128xf32, #tpu.memory_space<vmem>>
      %dma_start3A_87 = arith.constant 0 : i32
      %dma_start3A_88 = tpu.memref_slice %arg6[%add3A_12, %dma_start3A_87] : memref<10000x128xf32, #tpu.memory_space<vmem_shared>> -> memref<104x128xf32, #tpu.memory_space<vmem_shared>>
      %dma_start3A_89 = arith.constant 0 : i32
      %dma_start3A_90 = tpu.memref_slice %arg6[%add3A_12, %dma_start3A_89] : memref<10000x128xf32, #tpu.memory_space<vmem_shared>> -> memref<104x128xf32, #tpu.memory_space<vmem_shared>>
      %dma_start3A_91 = arith.constant 0 : i32
      %dma_start3A_92 = arith.constant 0 : i32
      %dma_start3A_93 = tpu.memref_slice %arg9[%dma_start3A_91, %dma_start3A_92] : memref<128x128xf32, #tpu.memory_space<vmem>> -> memref<104x128xf32, #tpu.memory_space<vmem>>
      tpu.enqueue_dma source(%dma_start3A_93 : memref<104x128xf32, #tpu.memory_space<vmem>>) target(%dma_start3A_90 : memref<104x128xf32, #tpu.memory_space<vmem_shared>>) target_semaphore(%run_scoped3A_83 : memref<!tpu.dma_semaphore, #tpu.memory_space<semaphore_mem>>)
      %dma_wait3A = arith.constant 0 : i32
      %dma_wait3A_94 = arith.constant 0 : i32
      %dma_wait3A_95 = tpu.memref_slice %arg9[%dma_wait3A, %dma_wait3A_94] : memref<128x128xf32, #tpu.memory_space<vmem>> -> memref<104x128xf32, #tpu.memory_space<vmem>>
      %dma_wait3A_96 = arith.constant 0 : i32
      %dma_wait3A_97 = tpu.memref_slice %arg6[%add3A_12, %dma_wait3A_96] : memref<10000x128xf32, #tpu.memory_space<vmem_shared>> -> memref<104x128xf32, #tpu.memory_space<vmem_shared>>
      %dma_wait3A_98 = arith.constant 0 : i32
      %dma_wait3A_99 = tpu.memref_slice %arg6[%add3A_12, %dma_wait3A_98] : memref<10000x128xf32, #tpu.memory_space<vmem_shared>> -> memref<104x128xf32, #tpu.memory_space<vmem_shared>>
      %dma_wait3A_100 = arith.constant 0 : i32
      %dma_wait3A_101 = arith.constant 0 : i32
      %dma_wait3A_102 = tpu.memref_slice %arg9[%dma_wait3A_100, %dma_wait3A_101] : memref<128x128xf32, #tpu.memory_space<vmem>> -> memref<104x128xf32, #tpu.memory_space<vmem>>
      tpu.wait_dma2 semaphore(%run_scoped3A_83 : memref<!tpu.dma_semaphore, #tpu.memory_space<semaphore_mem>>) src(%dma_wait3A_102 : memref<104x128xf32, #tpu.memory_space<vmem>>) dst(%dma_wait3A_99 : memref<104x128xf32, #tpu.memory_space<vmem_shared>>)
      tpu.yield
    }) : () -> ()
    %add3A_13 = arith.constant 208 : i32
    %add3A_14 = arith.addi %mul3A_8, %add3A_13 : i32
    "tpu.region"() ({
      %run_scoped3A_83 = tpu.sem_alloc : memref<!tpu.dma_semaphore, #tpu.memory_space<semaphore_mem>>
      %dma_start3A_84 = arith.constant 0 : i32
      %dma_start3A_85 = arith.constant 0 : i32
      %dma_start3A_86 = tpu.memref_slice %arg9[%dma_start3A_84, %dma_start3A_85] : memref<128x128xf32, #tpu.memory_space<vmem>> -> memref<104x128xf32, #tpu.memory_space<vmem>>
      %dma_start3A_87 = arith.constant 0 : i32
      %dma_start3A_88 = tpu.memref_slice %arg6[%add3A_14, %dma_start3A_87] : memref<10000x128xf32, #tpu.memory_space<vmem_shared>> -> memref<104x128xf32, #tpu.memory_space<vmem_shared>>
      %dma_start3A_89 = arith.constant 0 : i32
      %dma_start3A_90 = tpu.memref_slice %arg6[%add3A_14, %dma_start3A_89] : memref<10000x128xf32, #tpu.memory_space<vmem_shared>> -> memref<104x128xf32, #tpu.memory_space<vmem_shared>>
      %dma_start3A_91 = arith.constant 0 : i32
      %dma_start3A_92 = arith.constant 0 : i32
      %dma_start3A_93 = tpu.memref_slice %arg9[%dma_start3A_91, %dma_start3A_92] : memref<128x128xf32, #tpu.memory_space<vmem>> -> memref<104x128xf32, #tpu.memory_space<vmem>>
      tpu.enqueue_dma source(%dma_start3A_93 : memref<104x128xf32, #tpu.memory_space<vmem>>) target(%dma_start3A_90 : memref<104x128xf32, #tpu.memory_space<vmem_shared>>) target_semaphore(%run_scoped3A_83 : memref<!tpu.dma_semaphore, #tpu.memory_space<semaphore_mem>>)
      %dma_wait3A = arith.constant 0 : i32
      %dma_wait3A_94 = arith.constant 0 : i32
      %dma_wait3A_95 = tpu.memref_slice %arg9[%dma_wait3A, %dma_wait3A_94] : memref<128x128xf32, #tpu.memory_space<vmem>> -> memref<104x128xf32, #tpu.memory_space<vmem>>
      %dma_wait3A_96 = arith.constant 0 : i32
      %dma_wait3A_97 = tpu.memref_slice %arg6[%add3A_14, %dma_wait3A_96] : memref<10000x128xf32, #tpu.memory_space<vmem_shared>> -> memref<104x128xf32, #tpu.memory_space<vmem_shared>>
      %dma_wait3A_98 = arith.constant 0 : i32
      %dma_wait3A_99 = tpu.memref_slice %arg6[%add3A_14, %dma_wait3A_98] : memref<10000x128xf32, #tpu.memory_space<vmem_shared>> -> memref<104x128xf32, #tpu.memory_space<vmem_shared>>
      %dma_wait3A_100 = arith.constant 0 : i32
      %dma_wait3A_101 = arith.constant 0 : i32
      %dma_wait3A_102 = tpu.memref_slice %arg9[%dma_wait3A_100, %dma_wait3A_101] : memref<128x128xf32, #tpu.memory_space<vmem>> -> memref<104x128xf32, #tpu.memory_space<vmem>>
      tpu.wait_dma2 semaphore(%run_scoped3A_83 : memref<!tpu.dma_semaphore, #tpu.memory_space<semaphore_mem>>) src(%dma_wait3A_102 : memref<104x128xf32, #tpu.memory_space<vmem>>) dst(%dma_wait3A_99 : memref<104x128xf32, #tpu.memory_space<vmem_shared>>)
      tpu.yield
    }) : () -> ()
    %add3A_15 = arith.constant 312 : i32
    %add3A_16 = arith.addi %mul3A_8, %add3A_15 : i32
    "tpu.region"() ({
      %run_scoped3A_83 = tpu.sem_alloc : memref<!tpu.dma_semaphore, #tpu.memory_space<semaphore_mem>>
      %dma_start3A_84 = arith.constant 0 : i32
      %dma_start3A_85 = arith.constant 0 : i32
      %dma_start3A_86 = tpu.memref_slice %arg9[%dma_start3A_84, %dma_start3A_85] : memref<128x128xf32, #tpu.memory_space<vmem>> -> memref<104x128xf32, #tpu.memory_space<vmem>>
      %dma_start3A_87 = arith.constant 0 : i32
      %dma_start3A_88 = tpu.memref_slice %arg6[%add3A_16, %dma_start3A_87] : memref<10000x128xf32, #tpu.memory_space<vmem_shared>> -> memref<104x128xf32, #tpu.memory_space<vmem_shared>>
      %dma_start3A_89 = arith.constant 0 : i32
      %dma_start3A_90 = tpu.memref_slice %arg6[%add3A_16, %dma_start3A_89] : memref<10000x128xf32, #tpu.memory_space<vmem_shared>> -> memref<104x128xf32, #tpu.memory_space<vmem_shared>>
      %dma_start3A_91 = arith.constant 0 : i32
      %dma_start3A_92 = arith.constant 0 : i32
      %dma_start3A_93 = tpu.memref_slice %arg9[%dma_start3A_91, %dma_start3A_92] : memref<128x128xf32, #tpu.memory_space<vmem>> -> memref<104x128xf32, #tpu.memory_space<vmem>>
      tpu.enqueue_dma source(%dma_start3A_93 : memref<104x128xf32, #tpu.memory_space<vmem>>) target(%dma_start3A_90 : memref<104x128xf32, #tpu.memory_space<vmem_shared>>) target_semaphore(%run_scoped3A_83 : memref<!tpu.dma_semaphore, #tpu.memory_space<semaphore_mem>>)
      %dma_wait3A = arith.constant 0 : i32
      %dma_wait3A_94 = arith.constant 0 : i32
      %dma_wait3A_95 = tpu.memref_slice %arg9[%dma_wait3A, %dma_wait3A_94] : memref<128x128xf32, #tpu.memory_space<vmem>> -> memref<104x128xf32, #tpu.memory_space<vmem>>
      %dma_wait3A_96 = arith.constant 0 : i32
      %dma_wait3A_97 = tpu.memref_slice %arg6[%add3A_16, %dma_wait3A_96] : memref<10000x128xf32, #tpu.memory_space<vmem_shared>> -> memref<104x128xf32, #tpu.memory_space<vmem_shared>>
      %dma_wait3A_98 = arith.constant 0 : i32
      %dma_wait3A_99 = tpu.memref_slice %arg6[%add3A_16, %dma_wait3A_98] : memref<10000x128xf32, #tpu.memory_space<vmem_shared>> -> memref<104x128xf32, #tpu.memory_space<vmem_shared>>
      %dma_wait3A_100 = arith.constant 0 : i32
      %dma_wait3A_101 = arith.constant 0 : i32
      %dma_wait3A_102 = tpu.memref_slice %arg9[%dma_wait3A_100, %dma_wait3A_101] : memref<128x128xf32, #tpu.memory_space<vmem>> -> memref<104x128xf32, #tpu.memory_space<vmem>>
      tpu.wait_dma2 semaphore(%run_scoped3A_83 : memref<!tpu.dma_semaphore, #tpu.memory_space<semaphore_mem>>) src(%dma_wait3A_102 : memref<104x128xf32, #tpu.memory_space<vmem>>) dst(%dma_wait3A_99 : memref<104x128xf32, #tpu.memory_space<vmem_shared>>)
      tpu.yield
    }) : () -> ()
    %add3A_17 = arith.constant 416 : i32
    %add3A_18 = arith.addi %mul3A_8, %add3A_17 : i32
    "tpu.region"() ({
      %run_scoped3A_83 = tpu.sem_alloc : memref<!tpu.dma_semaphore, #tpu.memory_space<semaphore_mem>>
      %dma_start3A_84 = arith.constant 0 : i32
      %dma_start3A_85 = arith.constant 0 : i32
      %dma_start3A_86 = tpu.memref_slice %arg9[%dma_start3A_84, %dma_start3A_85] : memref<128x128xf32, #tpu.memory_space<vmem>> -> memref<104x128xf32, #tpu.memory_space<vmem>>
      %dma_start3A_87 = arith.constant 0 : i32
      %dma_start3A_88 = tpu.memref_slice %arg6[%add3A_18, %dma_start3A_87] : memref<10000x128xf32, #tpu.memory_space<vmem_shared>> -> memref<104x128xf32, #tpu.memory_space<vmem_shared>>
      %dma_start3A_89 = arith.constant 0 : i32
      %dma_start3A_90 = tpu.memref_slice %arg6[%add3A_18, %dma_start3A_89] : memref<10000x128xf32, #tpu.memory_space<vmem_shared>> -> memref<104x128xf32, #tpu.memory_space<vmem_shared>>
      %dma_start3A_91 = arith.constant 0 : i32
      %dma_start3A_92 = arith.constant 0 : i32
      %dma_start3A_93 = tpu.memref_slice %arg9[%dma_start3A_91, %dma_start3A_92] : memref<128x128xf32, #tpu.memory_space<vmem>> -> memref<104x128xf32, #tpu.memory_space<vmem>>
      tpu.enqueue_dma source(%dma_start3A_93 : memref<104x128xf32, #tpu.memory_space<vmem>>) target(%dma_start3A_90 : memref<104x128xf32, #tpu.memory_space<vmem_shared>>) target_semaphore(%run_scoped3A_83 : memref<!tpu.dma_semaphore, #tpu.memory_space<semaphore_mem>>)
      %dma_wait3A = arith.constant 0 : i32
      %dma_wait3A_94 = arith.constant 0 : i32
      %dma_wait3A_95 = tpu.memref_slice %arg9[%dma_wait3A, %dma_wait3A_94] : memref<128x128xf32, #tpu.memory_space<vmem>> -> memref<104x128xf32, #tpu.memory_space<vmem>>
      %dma_wait3A_96 = arith.constant 0 : i32
      %dma_wait3A_97 = tpu.memref_slice %arg6[%add3A_18, %dma_wait3A_96] : memref<10000x128xf32, #tpu.memory_space<vmem_shared>> -> memref<104x128xf32, #tpu.memory_space<vmem_shared>>
      %dma_wait3A_98 = arith.constant 0 : i32
      %dma_wait3A_99 = tpu.memref_slice %arg6[%add3A_18, %dma_wait3A_98] : memref<10000x128xf32, #tpu.memory_space<vmem_shared>> -> memref<104x128xf32, #tpu.memory_space<vmem_shared>>
      %dma_wait3A_100 = arith.constant 0 : i32
      %dma_wait3A_101 = arith.constant 0 : i32
      %dma_wait3A_102 = tpu.memref_slice %arg9[%dma_wait3A_100, %dma_wait3A_101] : memref<128x128xf32, #tpu.memory_space<vmem>> -> memref<104x128xf32, #tpu.memory_space<vmem>>
      tpu.wait_dma2 semaphore(%run_scoped3A_83 : memref<!tpu.dma_semaphore, #tpu.memory_space<semaphore_mem>>) src(%dma_wait3A_102 : memref<104x128xf32, #tpu.memory_space<vmem>>) dst(%dma_wait3A_99 : memref<104x128xf32, #tpu.memory_space<vmem_shared>>)
      tpu.yield
    }) : () -> ()
    %add3A_19 = arith.constant 520 : i32
    %add3A_20 = arith.addi %mul3A_8, %add3A_19 : i32
    "tpu.region"() ({
      %run_scoped3A_83 = tpu.sem_alloc : memref<!tpu.dma_semaphore, #tpu.memory_space<semaphore_mem>>
      %dma_start3A_84 = arith.constant 0 : i32
      %dma_start3A_85 = arith.constant 0 : i32
      %dma_start3A_86 = tpu.memref_slice %arg9[%dma_start3A_84, %dma_start3A_85] : memref<128x128xf32, #tpu.memory_space<vmem>> -> memref<104x128xf32, #tpu.memory_space<vmem>>
      %dma_start3A_87 = arith.constant 0 : i32
      %dma_start3A_88 = tpu.memref_slice %arg6[%add3A_20, %dma_start3A_87] : memref<10000x128xf32, #tpu.memory_space<vmem_shared>> -> memref<104x128xf32, #tpu.memory_space<vmem_shared>>
      %dma_start3A_89 = arith.constant 0 : i32
      %dma_start3A_90 = tpu.memref_slice %arg6[%add3A_20, %dma_start3A_89] : memref<10000x128xf32, #tpu.memory_space<vmem_shared>> -> memref<104x128xf32, #tpu.memory_space<vmem_shared>>
      %dma_start3A_91 = arith.constant 0 : i32
      %dma_start3A_92 = arith.constant 0 : i32
      %dma_start3A_93 = tpu.memref_slice %arg9[%dma_start3A_91, %dma_start3A_92] : memref<128x128xf32, #tpu.memory_space<vmem>> -> memref<104x128xf32, #tpu.memory_space<vmem>>
      tpu.enqueue_dma source(%dma_start3A_93 : memref<104x128xf32, #tpu.memory_space<vmem>>) target(%dma_start3A_90 : memref<104x128xf32, #tpu.memory_space<vmem_shared>>) target_semaphore(%run_scoped3A_83 : memref<!tpu.dma_semaphore, #tpu.memory_space<semaphore_mem>>)
      %dma_wait3A = arith.constant 0 : i32
      %dma_wait3A_94 = arith.constant 0 : i32
      %dma_wait3A_95 = tpu.memref_slice %arg9[%dma_wait3A, %dma_wait3A_94] : memref<128x128xf32, #tpu.memory_space<vmem>> -> memref<104x128xf32, #tpu.memory_space<vmem>>
      %dma_wait3A_96 = arith.constant 0 : i32
      %dma_wait3A_97 = tpu.memref_slice %arg6[%add3A_20, %dma_wait3A_96] : memref<10000x128xf32, #tpu.memory_space<vmem_shared>> -> memref<104x128xf32, #tpu.memory_space<vmem_shared>>
      %dma_wait3A_98 = arith.constant 0 : i32
      %dma_wait3A_99 = tpu.memref_slice %arg6[%add3A_20, %dma_wait3A_98] : memref<10000x128xf32, #tpu.memory_space<vmem_shared>> -> memref<104x128xf32, #tpu.memory_space<vmem_shared>>
      %dma_wait3A_100 = arith.constant 0 : i32
      %dma_wait3A_101 = arith.constant 0 : i32
      %dma_wait3A_102 = tpu.memref_slice %arg9[%dma_wait3A_100, %dma_wait3A_101] : memref<128x128xf32, #tpu.memory_space<vmem>> -> memref<104x128xf32, #tpu.memory_space<vmem>>
      tpu.wait_dma2 semaphore(%run_scoped3A_83 : memref<!tpu.dma_semaphore, #tpu.memory_space<semaphore_mem>>) src(%dma_wait3A_102 : memref<104x128xf32, #tpu.memory_space<vmem>>) dst(%dma_wait3A_99 : memref<104x128xf32, #tpu.memory_space<vmem_shared>>)
      tpu.yield
    }) : () -> ()
    %eq3A = arith.constant 15 : i32
    %eq3A_21 = arith.cmpi eq, %arg1, %eq3A : i32
    %convert_element_type3A = arith.extui %eq3A_21 : i1 to i32
    %cond3A = arith.constant 0 : i32
    %cond3A_22 = arith.cmpi ne, %convert_element_type3A, %cond3A : i32
    scf.if %cond3A_22 {
      "tpu.region"() ({
        %run_scoped3A_83 = tpu.sem_alloc : memref<!tpu.dma_semaphore, #tpu.memory_space<semaphore_mem>>
        %dma_start3A_84 = arith.constant 0 : i32
        %dma_start3A_85 = arith.constant 0 : i32
        %dma_start3A_86 = tpu.memref_slice %arg9[%dma_start3A_84, %dma_start3A_85] : memref<128x128xf32, #tpu.memory_space<vmem>> -> memref<16x128xf32, #tpu.memory_space<vmem>>
        %dma_start3A_87 = arith.constant 9984 : i32
        %dma_start3A_88 = arith.constant 0 : i32
        %dma_start3A_89 = tpu.memref_slice %arg6[%dma_start3A_87, %dma_start3A_88] : memref<10000x128xf32, #tpu.memory_space<vmem_shared>> -> memref<16x128xf32, #tpu.memory_space<vmem_shared>>
        %dma_start3A_90 = arith.constant 9984 : i32
        %dma_start3A_91 = arith.constant 0 : i32
        %dma_start3A_92 = tpu.memref_slice %arg6[%dma_start3A_90, %dma_start3A_91] : memref<10000x128xf32, #tpu.memory_space<vmem_shared>> -> memref<16x128xf32, #tpu.memory_space<vmem_shared>>
        %dma_start3A_93 = arith.constant 0 : i32
        %dma_start3A_94 = arith.constant 0 : i32
        %dma_start3A_95 = tpu.memref_slice %arg9[%dma_start3A_93, %dma_start3A_94] : memref<128x128xf32, #tpu.memory_space<vmem>> -> memref<16x128xf32, #tpu.memory_space<vmem>>
        tpu.enqueue_dma source(%dma_start3A_95 : memref<16x128xf32, #tpu.memory_space<vmem>>) target(%dma_start3A_92 : memref<16x128xf32, #tpu.memory_space<vmem_shared>>) target_semaphore(%run_scoped3A_83 : memref<!tpu.dma_semaphore, #tpu.memory_space<semaphore_mem>>)
        %dma_wait3A = arith.constant 0 : i32
        %dma_wait3A_96 = arith.constant 0 : i32
        %dma_wait3A_97 = tpu.memref_slice %arg9[%dma_wait3A, %dma_wait3A_96] : memref<128x128xf32, #tpu.memory_space<vmem>> -> memref<16x128xf32, #tpu.memory_space<vmem>>
        %dma_wait3A_98 = arith.constant 9984 : i32
        %dma_wait3A_99 = arith.constant 0 : i32
        %dma_wait3A_100 = tpu.memref_slice %arg6[%dma_wait3A_98, %dma_wait3A_99] : memref<10000x128xf32, #tpu.memory_space<vmem_shared>> -> memref<16x128xf32, #tpu.memory_space<vmem_shared>>
        %dma_wait3A_101 = arith.constant 9984 : i32
        %dma_wait3A_102 = arith.constant 0 : i32
        %dma_wait3A_103 = tpu.memref_slice %arg6[%dma_wait3A_101, %dma_wait3A_102] : memref<10000x128xf32, #tpu.memory_space<vmem_shared>> -> memref<16x128xf32, #tpu.memory_space<vmem_shared>>
        %dma_wait3A_104 = arith.constant 0 : i32
        %dma_wait3A_105 = arith.constant 0 : i32
        %dma_wait3A_106 = tpu.memref_slice %arg9[%dma_wait3A_104, %dma_wait3A_105] : memref<128x128xf32, #tpu.memory_space<vmem>> -> memref<16x128xf32, #tpu.memory_space<vmem>>
        tpu.wait_dma2 semaphore(%run_scoped3A_83 : memref<!tpu.dma_semaphore, #tpu.memory_space<semaphore_mem>>) src(%dma_wait3A_106 : memref<16x128xf32, #tpu.memory_space<vmem>>) dst(%dma_wait3A_103 : memref<16x128xf32, #tpu.memory_space<vmem_shared>>)
        tpu.yield
      }) : () -> ()
    } else {
    }
    %barrier3A = arith.constant 0 : index
    tpu.barrier barrier_id(%barrier3A)
    %run_scoped3A = arith.constant 0 : i32
    %run_scoped3A_23 = arith.constant 0 : i32
    "tpu.region"() ({
      %run_scoped3A_83 = tpu.sem_alloc : memref<!tpu.dma_semaphore, #tpu.memory_space<semaphore_mem>>
      %dma_start3A_84 = arith.constant 0 : i32
      %dma_start3A_85 = tpu.memref_slice %arg7[%run_scoped3A_23, %dma_start3A_84] : memref<3x128xi32, #tpu.memory_space<vmem>> -> memref<1x128xi32, #tpu.memory_space<vmem>>
      %dma_start3A_86 = tpu.memref_squeeze %dma_start3A_85 : memref<1x128xi32, #tpu.memory_space<vmem>> -> memref<128xi32, #tpu.memory_space<vmem>>
      %dma_start3A_87 = arith.constant 0 : i32
      %dma_start3A_88 = tpu.memref_slice %arg3[%add3A, %run_scoped3A, %dma_start3A_87] : memref<32x81x128xi32, #tpu.memory_space<hbm>> -> memref<1x1x128xi32, #tpu.memory_space<hbm>>
      %dma_start3A_89 = tpu.memref_squeeze %dma_start3A_88 : memref<1x1x128xi32, #tpu.memory_space<hbm>> -> memref<128xi32, #tpu.memory_space<hbm>>
      %dma_start3A_90 = arith.constant 0 : i32
      %dma_start3A_91 = tpu.memref_slice %arg7[%run_scoped3A_23, %dma_start3A_90] : memref<3x128xi32, #tpu.memory_space<vmem>> -> memref<1x128xi32, #tpu.memory_space<vmem>>
      %dma_start3A_92 = tpu.memref_squeeze %dma_start3A_91 : memref<1x128xi32, #tpu.memory_space<vmem>> -> memref<128xi32, #tpu.memory_space<vmem>>
      %dma_start3A_93 = arith.constant 0 : i32
      %dma_start3A_94 = tpu.memref_slice %arg3[%add3A, %run_scoped3A, %dma_start3A_93] : memref<32x81x128xi32, #tpu.memory_space<hbm>> -> memref<1x1x128xi32, #tpu.memory_space<hbm>>
      %dma_start3A_95 = tpu.memref_squeeze %dma_start3A_94 : memref<1x1x128xi32, #tpu.memory_space<hbm>> -> memref<128xi32, #tpu.memory_space<hbm>>
      tpu.enqueue_dma source(%dma_start3A_95 : memref<128xi32, #tpu.memory_space<hbm>>) target(%dma_start3A_92 : memref<128xi32, #tpu.memory_space<vmem>>) target_semaphore(%run_scoped3A_83 : memref<!tpu.dma_semaphore, #tpu.memory_space<semaphore_mem>>)
      %dma_wait3A = arith.constant 0 : i32
      %dma_wait3A_96 = tpu.memref_slice %arg7[%run_scoped3A_23, %dma_wait3A] : memref<3x128xi32, #tpu.memory_space<vmem>> -> memref<1x128xi32, #tpu.memory_space<vmem>>
      %dma_wait3A_97 = tpu.memref_squeeze %dma_wait3A_96 : memref<1x128xi32, #tpu.memory_space<vmem>> -> memref<128xi32, #tpu.memory_space<vmem>>
      %dma_wait3A_98 = arith.constant 0 : i32
      %dma_wait3A_99 = tpu.memref_slice %arg3[%add3A, %run_scoped3A, %dma_wait3A_98] : memref<32x81x128xi32, #tpu.memory_space<hbm>> -> memref<1x1x128xi32, #tpu.memory_space<hbm>>
      %dma_wait3A_100 = tpu.memref_squeeze %dma_wait3A_99 : memref<1x1x128xi32, #tpu.memory_space<hbm>> -> memref<128xi32, #tpu.memory_space<hbm>>
      %dma_wait3A_101 = arith.constant 0 : i32
      %dma_wait3A_102 = tpu.memref_slice %arg7[%run_scoped3A_23, %dma_wait3A_101] : memref<3x128xi32, #tpu.memory_space<vmem>> -> memref<1x128xi32, #tpu.memory_space<vmem>>
      %dma_wait3A_103 = tpu.memref_squeeze %dma_wait3A_102 : memref<1x128xi32, #tpu.memory_space<vmem>> -> memref<128xi32, #tpu.memory_space<vmem>>
      %dma_wait3A_104 = arith.constant 0 : i32
      %dma_wait3A_105 = tpu.memref_slice %arg3[%add3A, %run_scoped3A, %dma_wait3A_104] : memref<32x81x128xi32, #tpu.memory_space<hbm>> -> memref<1x1x128xi32, #tpu.memory_space<hbm>>
      %dma_wait3A_106 = tpu.memref_squeeze %dma_wait3A_105 : memref<1x1x128xi32, #tpu.memory_space<hbm>> -> memref<128xi32, #tpu.memory_space<hbm>>
      tpu.wait_dma2 semaphore(%run_scoped3A_83 : memref<!tpu.dma_semaphore, #tpu.memory_space<semaphore_mem>>) src(%dma_wait3A_106 : memref<128xi32, #tpu.memory_space<hbm>>) dst(%dma_wait3A_103 : memref<128xi32, #tpu.memory_space<vmem>>)
      tpu.yield
    }) : () -> ()
    %run_scoped3A_24 = arith.constant 0 : i32
    %run_scoped3A_25 = arith.constant 0 : i32
    "tpu.region"() ({
      %run_scoped3A_83 = tpu.sem_alloc : memref<!tpu.dma_semaphore, #tpu.memory_space<semaphore_mem>>
      %dma_start3A_84 = arith.constant 0 : i32
      %dma_start3A_85 = tpu.memref_slice %arg8[%run_scoped3A_25, %dma_start3A_84] : memref<3x128xi32, #tpu.memory_space<vmem>> -> memref<1x128xi32, #tpu.memory_space<vmem>>
      %dma_start3A_86 = tpu.memref_squeeze %dma_start3A_85 : memref<1x128xi32, #tpu.memory_space<vmem>> -> memref<128xi32, #tpu.memory_space<vmem>>
      %dma_start3A_87 = arith.constant 0 : i32
      %dma_start3A_88 = tpu.memref_slice %arg4[%add3A, %run_scoped3A_24, %dma_start3A_87] : memref<32x81x128xi32, #tpu.memory_space<hbm>> -> memref<1x1x128xi32, #tpu.memory_space<hbm>>
      %dma_start3A_89 = tpu.memref_squeeze %dma_start3A_88 : memref<1x1x128xi32, #tpu.memory_space<hbm>> -> memref<128xi32, #tpu.memory_space<hbm>>
      %dma_start3A_90 = arith.constant 0 : i32
      %dma_start3A_91 = tpu.memref_slice %arg8[%run_scoped3A_25, %dma_start3A_90] : memref<3x128xi32, #tpu.memory_space<vmem>> -> memref<1x128xi32, #tpu.memory_space<vmem>>
      %dma_start3A_92 = tpu.memref_squeeze %dma_start3A_91 : memref<1x128xi32, #tpu.memory_space<vmem>> -> memref<128xi32, #tpu.memory_space<vmem>>
      %dma_start3A_93 = arith.constant 0 : i32
      %dma_start3A_94 = tpu.memref_slice %arg4[%add3A, %run_scoped3A_24, %dma_start3A_93] : memref<32x81x128xi32, #tpu.memory_space<hbm>> -> memref<1x1x128xi32, #tpu.memory_space<hbm>>
      %dma_start3A_95 = tpu.memref_squeeze %dma_start3A_94 : memref<1x1x128xi32, #tpu.memory_space<hbm>> -> memref<128xi32, #tpu.memory_space<hbm>>
      tpu.enqueue_dma source(%dma_start3A_95 : memref<128xi32, #tpu.memory_space<hbm>>) target(%dma_start3A_92 : memref<128xi32, #tpu.memory_space<vmem>>) target_semaphore(%run_scoped3A_83 : memref<!tpu.dma_semaphore, #tpu.memory_space<semaphore_mem>>)
      %dma_wait3A = arith.constant 0 : i32
      %dma_wait3A_96 = tpu.memref_slice %arg8[%run_scoped3A_25, %dma_wait3A] : memref<3x128xi32, #tpu.memory_space<vmem>> -> memref<1x128xi32, #tpu.memory_space<vmem>>
      %dma_wait3A_97 = tpu.memref_squeeze %dma_wait3A_96 : memref<1x128xi32, #tpu.memory_space<vmem>> -> memref<128xi32, #tpu.memory_space<vmem>>
      %dma_wait3A_98 = arith.constant 0 : i32
      %dma_wait3A_99 = tpu.memref_slice %arg4[%add3A, %run_scoped3A_24, %dma_wait3A_98] : memref<32x81x128xi32, #tpu.memory_space<hbm>> -> memref<1x1x128xi32, #tpu.memory_space<hbm>>
      %dma_wait3A_100 = tpu.memref_squeeze %dma_wait3A_99 : memref<1x1x128xi32, #tpu.memory_space<hbm>> -> memref<128xi32, #tpu.memory_space<hbm>>
      %dma_wait3A_101 = arith.constant 0 : i32
      %dma_wait3A_102 = tpu.memref_slice %arg8[%run_scoped3A_25, %dma_wait3A_101] : memref<3x128xi32, #tpu.memory_space<vmem>> -> memref<1x128xi32, #tpu.memory_space<vmem>>
      %dma_wait3A_103 = tpu.memref_squeeze %dma_wait3A_102 : memref<1x128xi32, #tpu.memory_space<vmem>> -> memref<128xi32, #tpu.memory_space<vmem>>
      %dma_wait3A_104 = arith.constant 0 : i32
      %dma_wait3A_105 = tpu.memref_slice %arg4[%add3A, %run_scoped3A_24, %dma_wait3A_104] : memref<32x81x128xi32, #tpu.memory_space<hbm>> -> memref<1x1x128xi32, #tpu.memory_space<hbm>>
      %dma_wait3A_106 = tpu.memref_squeeze %dma_wait3A_105 : memref<1x1x128xi32, #tpu.memory_space<hbm>> -> memref<128xi32, #tpu.memory_space<hbm>>
      tpu.wait_dma2 semaphore(%run_scoped3A_83 : memref<!tpu.dma_semaphore, #tpu.memory_space<semaphore_mem>>) src(%dma_wait3A_106 : memref<128xi32, #tpu.memory_space<hbm>>) dst(%dma_wait3A_103 : memref<128xi32, #tpu.memory_space<vmem>>)
      tpu.yield
    }) : () -> ()
    %run_scoped3A_26 = arith.constant 1 : i32
    %run_scoped3A_27 = arith.constant 1 : i32
    "tpu.region"() ({
      %run_scoped3A_83 = tpu.sem_alloc : memref<!tpu.dma_semaphore, #tpu.memory_space<semaphore_mem>>
      %dma_start3A_84 = arith.constant 0 : i32
      %dma_start3A_85 = tpu.memref_slice %arg7[%run_scoped3A_27, %dma_start3A_84] : memref<3x128xi32, #tpu.memory_space<vmem>> -> memref<1x128xi32, #tpu.memory_space<vmem>>
      %dma_start3A_86 = tpu.memref_squeeze %dma_start3A_85 : memref<1x128xi32, #tpu.memory_space<vmem>> -> memref<128xi32, #tpu.memory_space<vmem>>
      %dma_start3A_87 = arith.constant 0 : i32
      %dma_start3A_88 = tpu.memref_slice %arg3[%add3A, %run_scoped3A_26, %dma_start3A_87] : memref<32x81x128xi32, #tpu.memory_space<hbm>> -> memref<1x1x128xi32, #tpu.memory_space<hbm>>
      %dma_start3A_89 = tpu.memref_squeeze %dma_start3A_88 : memref<1x1x128xi32, #tpu.memory_space<hbm>> -> memref<128xi32, #tpu.memory_space<hbm>>
      %dma_start3A_90 = arith.constant 0 : i32
      %dma_start3A_91 = tpu.memref_slice %arg7[%run_scoped3A_27, %dma_start3A_90] : memref<3x128xi32, #tpu.memory_space<vmem>> -> memref<1x128xi32, #tpu.memory_space<vmem>>
      %dma_start3A_92 = tpu.memref_squeeze %dma_start3A_91 : memref<1x128xi32, #tpu.memory_space<vmem>> -> memref<128xi32, #tpu.memory_space<vmem>>
      %dma_start3A_93 = arith.constant 0 : i32
      %dma_start3A_94 = tpu.memref_slice %arg3[%add3A, %run_scoped3A_26, %dma_start3A_93] : memref<32x81x128xi32, #tpu.memory_space<hbm>> -> memref<1x1x128xi32, #tpu.memory_space<hbm>>
      %dma_start3A_95 = tpu.memref_squeeze %dma_start3A_94 : memref<1x1x128xi32, #tpu.memory_space<hbm>> -> memref<128xi32, #tpu.memory_space<hbm>>
      tpu.enqueue_dma source(%dma_start3A_95 : memref<128xi32, #tpu.memory_space<hbm>>) target(%dma_start3A_92 : memref<128xi32, #tpu.memory_space<vmem>>) target_semaphore(%run_scoped3A_83 : memref<!tpu.dma_semaphore, #tpu.memory_space<semaphore_mem>>)
      %dma_wait3A = arith.constant 0 : i32
      %dma_wait3A_96 = tpu.memref_slice %arg7[%run_scoped3A_27, %dma_wait3A] : memref<3x128xi32, #tpu.memory_space<vmem>> -> memref<1x128xi32, #tpu.memory_space<vmem>>
      %dma_wait3A_97 = tpu.memref_squeeze %dma_wait3A_96 : memref<1x128xi32, #tpu.memory_space<vmem>> -> memref<128xi32, #tpu.memory_space<vmem>>
      %dma_wait3A_98 = arith.constant 0 : i32
      %dma_wait3A_99 = tpu.memref_slice %arg3[%add3A, %run_scoped3A_26, %dma_wait3A_98] : memref<32x81x128xi32, #tpu.memory_space<hbm>> -> memref<1x1x128xi32, #tpu.memory_space<hbm>>
      %dma_wait3A_100 = tpu.memref_squeeze %dma_wait3A_99 : memref<1x1x128xi32, #tpu.memory_space<hbm>> -> memref<128xi32, #tpu.memory_space<hbm>>
      %dma_wait3A_101 = arith.constant 0 : i32
      %dma_wait3A_102 = tpu.memref_slice %arg7[%run_scoped3A_27, %dma_wait3A_101] : memref<3x128xi32, #tpu.memory_space<vmem>> -> memref<1x128xi32, #tpu.memory_space<vmem>>
      %dma_wait3A_103 = tpu.memref_squeeze %dma_wait3A_102 : memref<1x128xi32, #tpu.memory_space<vmem>> -> memref<128xi32, #tpu.memory_space<vmem>>
      %dma_wait3A_104 = arith.constant 0 : i32
      %dma_wait3A_105 = tpu.memref_slice %arg3[%add3A, %run_scoped3A_26, %dma_wait3A_104] : memref<32x81x128xi32, #tpu.memory_space<hbm>> -> memref<1x1x128xi32, #tpu.memory_space<hbm>>
      %dma_wait3A_106 = tpu.memref_squeeze %dma_wait3A_105 : memref<1x1x128xi32, #tpu.memory_space<hbm>> -> memref<128xi32, #tpu.memory_space<hbm>>
      tpu.wait_dma2 semaphore(%run_scoped3A_83 : memref<!tpu.dma_semaphore, #tpu.memory_space<semaphore_mem>>) src(%dma_wait3A_106 : memref<128xi32, #tpu.memory_space<hbm>>) dst(%dma_wait3A_103 : memref<128xi32, #tpu.memory_space<vmem>>)
      tpu.yield
    }) : () -> ()
    %run_scoped3A_28 = arith.constant 1 : i32
    %run_scoped3A_29 = arith.constant 1 : i32
    "tpu.region"() ({
      %run_scoped3A_83 = tpu.sem_alloc : memref<!tpu.dma_semaphore, #tpu.memory_space<semaphore_mem>>
      %dma_start3A_84 = arith.constant 0 : i32
      %dma_start3A_85 = tpu.memref_slice %arg8[%run_scoped3A_29, %dma_start3A_84] : memref<3x128xi32, #tpu.memory_space<vmem>> -> memref<1x128xi32, #tpu.memory_space<vmem>>
      %dma_start3A_86 = tpu.memref_squeeze %dma_start3A_85 : memref<1x128xi32, #tpu.memory_space<vmem>> -> memref<128xi32, #tpu.memory_space<vmem>>
      %dma_start3A_87 = arith.constant 0 : i32
      %dma_start3A_88 = tpu.memref_slice %arg4[%add3A, %run_scoped3A_28, %dma_start3A_87] : memref<32x81x128xi32, #tpu.memory_space<hbm>> -> memref<1x1x128xi32, #tpu.memory_space<hbm>>
      %dma_start3A_89 = tpu.memref_squeeze %dma_start3A_88 : memref<1x1x128xi32, #tpu.memory_space<hbm>> -> memref<128xi32, #tpu.memory_space<hbm>>
      %dma_start3A_90 = arith.constant 0 : i32
      %dma_start3A_91 = tpu.memref_slice %arg8[%run_scoped3A_29, %dma_start3A_90] : memref<3x128xi32, #tpu.memory_space<vmem>> -> memref<1x128xi32, #tpu.memory_space<vmem>>
      %dma_start3A_92 = tpu.memref_squeeze %dma_start3A_91 : memref<1x128xi32, #tpu.memory_space<vmem>> -> memref<128xi32, #tpu.memory_space<vmem>>
      %dma_start3A_93 = arith.constant 0 : i32
      %dma_start3A_94 = tpu.memref_slice %arg4[%add3A, %run_scoped3A_28, %dma_start3A_93] : memref<32x81x128xi32, #tpu.memory_space<hbm>> -> memref<1x1x128xi32, #tpu.memory_space<hbm>>
      %dma_start3A_95 = tpu.memref_squeeze %dma_start3A_94 : memref<1x1x128xi32, #tpu.memory_space<hbm>> -> memref<128xi32, #tpu.memory_space<hbm>>
      tpu.enqueue_dma source(%dma_start3A_95 : memref<128xi32, #tpu.memory_space<hbm>>) target(%dma_start3A_92 : memref<128xi32, #tpu.memory_space<vmem>>) target_semaphore(%run_scoped3A_83 : memref<!tpu.dma_semaphore, #tpu.memory_space<semaphore_mem>>)
      %dma_wait3A = arith.constant 0 : i32
      %dma_wait3A_96 = tpu.memref_slice %arg8[%run_scoped3A_29, %dma_wait3A] : memref<3x128xi32, #tpu.memory_space<vmem>> -> memref<1x128xi32, #tpu.memory_space<vmem>>
      %dma_wait3A_97 = tpu.memref_squeeze %dma_wait3A_96 : memref<1x128xi32, #tpu.memory_space<vmem>> -> memref<128xi32, #tpu.memory_space<vmem>>
      %dma_wait3A_98 = arith.constant 0 : i32
      %dma_wait3A_99 = tpu.memref_slice %arg4[%add3A, %run_scoped3A_28, %dma_wait3A_98] : memref<32x81x128xi32, #tpu.memory_space<hbm>> -> memref<1x1x128xi32, #tpu.memory_space<hbm>>
      %dma_wait3A_100 = tpu.memref_squeeze %dma_wait3A_99 : memref<1x1x128xi32, #tpu.memory_space<hbm>> -> memref<128xi32, #tpu.memory_space<hbm>>
      %dma_wait3A_101 = arith.constant 0 : i32
      %dma_wait3A_102 = tpu.memref_slice %arg8[%run_scoped3A_29, %dma_wait3A_101] : memref<3x128xi32, #tpu.memory_space<vmem>> -> memref<1x128xi32, #tpu.memory_space<vmem>>
      %dma_wait3A_103 = tpu.memref_squeeze %dma_wait3A_102 : memref<1x128xi32, #tpu.memory_space<vmem>> -> memref<128xi32, #tpu.memory_space<vmem>>
      %dma_wait3A_104 = arith.constant 0 : i32
      %dma_wait3A_105 = tpu.memref_slice %arg4[%add3A, %run_scoped3A_28, %dma_wait3A_104] : memref<32x81x128xi32, #tpu.memory_space<hbm>> -> memref<1x1x128xi32, #tpu.memory_space<hbm>>
      %dma_wait3A_106 = tpu.memref_squeeze %dma_wait3A_105 : memref<1x1x128xi32, #tpu.memory_space<hbm>> -> memref<128xi32, #tpu.memory_space<hbm>>
      tpu.wait_dma2 semaphore(%run_scoped3A_83 : memref<!tpu.dma_semaphore, #tpu.memory_space<semaphore_mem>>) src(%dma_wait3A_106 : memref<128xi32, #tpu.memory_space<hbm>>) dst(%dma_wait3A_103 : memref<128xi32, #tpu.memory_space<vmem>>)
      tpu.yield
    }) : () -> ()
    %dma_start3A = arith.constant 0 : i32
    %dma_start3A_30 = arith.constant 0 : i32
    %dma_start3A_31 = tpu.memref_slice %arg7[%dma_start3A, %dma_start3A_30] : memref<3x128xi32, #tpu.memory_space<vmem>> -> memref<1x128xi32, #tpu.memory_space<vmem>>
    %dma_start3A_32 = tpu.memref_squeeze %dma_start3A_31 : memref<1x128xi32, #tpu.memory_space<vmem>> -> memref<128xi32, #tpu.memory_space<vmem>>
    %dma_start3A_33 = arith.constant 0 : i32
    %dma_start3A_34 = arith.constant 0 : i32
    %dma_start3A_35 = tpu.memref_slice %arg2[%dma_start3A_33, %dma_start3A_34] : memref<10240x128xf32, #tpu.memory_space<hbm>> -> memref<10240x128xf32, #tpu.memory_space<hbm>>
    tpu.enqueue_indirect_dma source(%dma_start3A_35 : memref<10240x128xf32, #tpu.memory_space<hbm>>) target(%arg9 : memref<128x128xf32, #tpu.memory_space<vmem>>) offsets(%dma_start3A_32 : memref<128xi32, #tpu.memory_space<vmem>>) semaphore(%arg12 : memref<!tpu.dma_semaphore, #tpu.memory_space<semaphore_mem>>)
    %dma_start3A_36 = arith.constant 1 : i32
    %dma_start3A_37 = arith.constant 0 : i32
    %dma_start3A_38 = tpu.memref_slice %arg7[%dma_start3A_36, %dma_start3A_37] : memref<3x128xi32, #tpu.memory_space<vmem>> -> memref<1x128xi32, #tpu.memory_space<vmem>>
    %dma_start3A_39 = tpu.memref_squeeze %dma_start3A_38 : memref<1x128xi32, #tpu.memory_space<vmem>> -> memref<128xi32, #tpu.memory_space<vmem>>
    %dma_start3A_40 = arith.constant 0 : i32
    %dma_start3A_41 = arith.constant 0 : i32
    %dma_start3A_42 = tpu.memref_slice %arg2[%dma_start3A_40, %dma_start3A_41] : memref<10240x128xf32, #tpu.memory_space<hbm>> -> memref<10240x128xf32, #tpu.memory_space<hbm>>
    tpu.enqueue_indirect_dma source(%dma_start3A_42 : memref<10240x128xf32, #tpu.memory_space<hbm>>) target(%arg10 : memref<128x128xf32, #tpu.memory_space<vmem>>) offsets(%dma_start3A_39 : memref<128xi32, #tpu.memory_space<vmem>>) semaphore(%arg13 : memref<!tpu.dma_semaphore, #tpu.memory_space<semaphore_mem>>)
    %dma_start3A_43 = arith.constant 2 : i32
    %dma_start3A_44 = arith.constant 2 : i32
    %dma_start3A_45 = arith.constant 0 : i32
    %dma_start3A_46 = tpu.memref_slice %arg7[%dma_start3A_44, %dma_start3A_45] : memref<3x128xi32, #tpu.memory_space<vmem>> -> memref<1x128xi32, #tpu.memory_space<vmem>>
    %dma_start3A_47 = tpu.memref_squeeze %dma_start3A_46 : memref<1x128xi32, #tpu.memory_space<vmem>> -> memref<128xi32, #tpu.memory_space<vmem>>
    %dma_start3A_48 = arith.constant 0 : i32
    %dma_start3A_49 = tpu.memref_slice %arg3[%add3A, %dma_start3A_43, %dma_start3A_48] : memref<32x81x128xi32, #tpu.memory_space<hbm>> -> memref<1x1x128xi32, #tpu.memory_space<hbm>>
    %dma_start3A_50 = tpu.memref_squeeze %dma_start3A_49 : memref<1x1x128xi32, #tpu.memory_space<hbm>> -> memref<128xi32, #tpu.memory_space<hbm>>
    %dma_start3A_51 = arith.constant 0 : i32
    %dma_start3A_52 = tpu.memref_slice %arg7[%dma_start3A_44, %dma_start3A_51] : memref<3x128xi32, #tpu.memory_space<vmem>> -> memref<1x128xi32, #tpu.memory_space<vmem>>
    %dma_start3A_53 = tpu.memref_squeeze %dma_start3A_52 : memref<1x128xi32, #tpu.memory_space<vmem>> -> memref<128xi32, #tpu.memory_space<vmem>>
    %dma_start3A_54 = arith.constant 0 : i32
    %dma_start3A_55 = tpu.memref_slice %arg3[%add3A, %dma_start3A_43, %dma_start3A_54] : memref<32x81x128xi32, #tpu.memory_space<hbm>> -> memref<1x1x128xi32, #tpu.memory_space<hbm>>
    %dma_start3A_56 = tpu.memref_squeeze %dma_start3A_55 : memref<1x1x128xi32, #tpu.memory_space<hbm>> -> memref<128xi32, #tpu.memory_space<hbm>>
    tpu.enqueue_dma source(%dma_start3A_56 : memref<128xi32, #tpu.memory_space<hbm>>) target(%dma_start3A_53 : memref<128xi32, #tpu.memory_space<vmem>>) target_semaphore(%arg17 : memref<!tpu.dma_semaphore, #tpu.memory_space<semaphore_mem>>)
    %dma_start3A_57 = arith.constant 2 : i32
    %dma_start3A_58 = arith.constant 2 : i32
    %dma_start3A_59 = arith.constant 0 : i32
    %dma_start3A_60 = tpu.memref_slice %arg8[%dma_start3A_58, %dma_start3A_59] : memref<3x128xi32, #tpu.memory_space<vmem>> -> memref<1x128xi32, #tpu.memory_space<vmem>>
    %dma_start3A_61 = tpu.memref_squeeze %dma_start3A_60 : memref<1x128xi32, #tpu.memory_space<vmem>> -> memref<128xi32, #tpu.memory_space<vmem>>
    %dma_start3A_62 = arith.constant 0 : i32
    %dma_start3A_63 = tpu.memref_slice %arg4[%add3A, %dma_start3A_57, %dma_start3A_62] : memref<32x81x128xi32, #tpu.memory_space<hbm>> -> memref<1x1x128xi32, #tpu.memory_space<hbm>>
    %dma_start3A_64 = tpu.memref_squeeze %dma_start3A_63 : memref<1x1x128xi32, #tpu.memory_space<hbm>> -> memref<128xi32, #tpu.memory_space<hbm>>
    %dma_start3A_65 = arith.constant 0 : i32
    %dma_start3A_66 = tpu.memref_slice %arg8[%dma_start3A_58, %dma_start3A_65] : memref<3x128xi32, #tpu.memory_space<vmem>> -> memref<1x128xi32, #tpu.memory_space<vmem>>
    %dma_start3A_67 = tpu.memref_squeeze %dma_start3A_66 : memref<1x128xi32, #tpu.memory_space<vmem>> -> memref<128xi32, #tpu.memory_space<vmem>>
    %dma_start3A_68 = arith.constant 0 : i32
    %dma_start3A_69 = tpu.memref_slice %arg4[%add3A, %dma_start3A_57, %dma_start3A_68] : memref<32x81x128xi32, #tpu.memory_space<hbm>> -> memref<1x1x128xi32, #tpu.memory_space<hbm>>
    %dma_start3A_70 = tpu.memref_squeeze %dma_start3A_69 : memref<1x1x128xi32, #tpu.memory_space<hbm>> -> memref<128xi32, #tpu.memory_space<hbm>>
    tpu.enqueue_dma source(%dma_start3A_70 : memref<128xi32, #tpu.memory_space<hbm>>) target(%dma_start3A_67 : memref<128xi32, #tpu.memory_space<vmem>>) target_semaphore(%arg17 : memref<!tpu.dma_semaphore, #tpu.memory_space<semaphore_mem>>)
    %scan3A_71 = arith.constant 0 : i32
    %scan3A_72 = arith.constant 0 : i32
    %scan3A_73 = arith.constant 27 : i32
    %scan3A_74 = arith.addi %scan3A_72, %scan3A_73 : i32
    %scan3A_75 = arith.constant 1 : i32
    scf.for %scan3A_83 = %scan3A_72 to %scan3A_74 step %scan3A_75  : i32 {
      %mul3A_84 = arith.constant 3 : i32
      %mul3A_85 = arith.muli %scan3A_83, %mul3A_84 : i32
      %add3A_86 = arith.constant 0 : i32
      %add3A_87 = arith.addi %mul3A_85, %add3A_86 : i32
      %dma_wait3A = arith.constant 0 : i32
      %dma_wait3A_88 = arith.constant 0 : i32
      %dma_wait3A_89 = tpu.memref_slice %arg7[%dma_wait3A, %dma_wait3A_88] : memref<3x128xi32, #tpu.memory_space<vmem>> -> memref<1x128xi32, #tpu.memory_space<vmem>>
      %dma_wait3A_90 = tpu.memref_squeeze %dma_wait3A_89 : memref<1x128xi32, #tpu.memory_space<vmem>> -> memref<128xi32, #tpu.memory_space<vmem>>
      %dma_wait3A_91 = arith.constant 0 : i32
      %dma_wait3A_92 = arith.constant 0 : i32
      %dma_wait3A_93 = tpu.memref_slice %arg2[%dma_wait3A_91, %dma_wait3A_92] : memref<10240x128xf32, #tpu.memory_space<hbm>> -> memref<10240x128xf32, #tpu.memory_space<hbm>>
      tpu.wait_indirect_dma semaphore(%arg12 : memref<!tpu.dma_semaphore, #tpu.memory_space<semaphore_mem>>) src(%dma_wait3A_93 : memref<10240x128xf32, #tpu.memory_space<hbm>>) dst(%arg9 : memref<128x128xf32, #tpu.memory_space<vmem>>)
      %add3A_94 = arith.constant 2 : i32
      %add3A_95 = arith.addi %add3A_87, %add3A_94 : i32
      %lt3A = arith.constant 81 : i32
      %lt3A_96 = arith.cmpi slt, %add3A_95, %lt3A : i32
      %convert_element_type3A_97 = arith.extui %lt3A_96 : i1 to i32
      %cond3A_98 = arith.constant 0 : i32
      %cond3A_99 = arith.cmpi ne, %convert_element_type3A_97, %cond3A_98 : i32
      scf.if %cond3A_99 {
        %add3A_156 = arith.constant 2 : i32
        %add3A_157 = arith.addi %add3A_87, %add3A_156 : i32
        %dma_wait3A_158 = arith.constant 2 : i32
        %dma_wait3A_159 = arith.constant 0 : i32
        %dma_wait3A_160 = tpu.memref_slice %arg7[%dma_wait3A_158, %dma_wait3A_159] : memref<3x128xi32, #tpu.memory_space<vmem>> -> memref<1x128xi32, #tpu.memory_space<vmem>>
        %dma_wait3A_161 = tpu.memref_squeeze %dma_wait3A_160 : memref<1x128xi32, #tpu.memory_space<vmem>> -> memref<128xi32, #tpu.memory_space<vmem>>
        %dma_wait3A_162 = arith.constant 0 : i32
        %dma_wait3A_163 = tpu.memref_slice %arg3[%add3A, %add3A_157, %dma_wait3A_162] : memref<32x81x128xi32, #tpu.memory_space<hbm>> -> memref<1x1x128xi32, #tpu.memory_space<hbm>>
        %dma_wait3A_164 = tpu.memref_squeeze %dma_wait3A_163 : memref<1x1x128xi32, #tpu.memory_space<hbm>> -> memref<128xi32, #tpu.memory_space<hbm>>
        %dma_wait3A_165 = arith.constant 0 : i32
        %dma_wait3A_166 = tpu.memref_slice %arg7[%dma_wait3A_158, %dma_wait3A_165] : memref<3x128xi32, #tpu.memory_space<vmem>> -> memref<1x128xi32, #tpu.memory_space<vmem>>
        %dma_wait3A_167 = tpu.memref_squeeze %dma_wait3A_166 : memref<1x128xi32, #tpu.memory_space<vmem>> -> memref<128xi32, #tpu.memory_space<vmem>>
        %dma_wait3A_168 = arith.constant 0 : i32
        %dma_wait3A_169 = tpu.memref_slice %arg3[%add3A, %add3A_157, %dma_wait3A_168] : memref<32x81x128xi32, #tpu.memory_space<hbm>> -> memref<1x1x128xi32, #tpu.memory_space<hbm>>
        %dma_wait3A_170 = tpu.memref_squeeze %dma_wait3A_169 : memref<1x1x128xi32, #tpu.memory_space<hbm>> -> memref<128xi32, #tpu.memory_space<hbm>>
        tpu.wait_dma2 semaphore(%arg17 : memref<!tpu.dma_semaphore, #tpu.memory_space<semaphore_mem>>) src(%dma_wait3A_170 : memref<128xi32, #tpu.memory_space<hbm>>) dst(%dma_wait3A_167 : memref<128xi32, #tpu.memory_space<vmem>>)
        %add3A_171 = arith.constant 2 : i32
        %add3A_172 = arith.addi %add3A_87, %add3A_171 : i32
        %dma_wait3A_173 = arith.constant 2 : i32
        %dma_wait3A_174 = arith.constant 0 : i32
        %dma_wait3A_175 = tpu.memref_slice %arg8[%dma_wait3A_173, %dma_wait3A_174] : memref<3x128xi32, #tpu.memory_space<vmem>> -> memref<1x128xi32, #tpu.memory_space<vmem>>
        %dma_wait3A_176 = tpu.memref_squeeze %dma_wait3A_175 : memref<1x128xi32, #tpu.memory_space<vmem>> -> memref<128xi32, #tpu.memory_space<vmem>>
        %dma_wait3A_177 = arith.constant 0 : i32
        %dma_wait3A_178 = tpu.memref_slice %arg4[%add3A, %add3A_172, %dma_wait3A_177] : memref<32x81x128xi32, #tpu.memory_space<hbm>> -> memref<1x1x128xi32, #tpu.memory_space<hbm>>
        %dma_wait3A_179 = tpu.memref_squeeze %dma_wait3A_178 : memref<1x1x128xi32, #tpu.memory_space<hbm>> -> memref<128xi32, #tpu.memory_space<hbm>>
        %dma_wait3A_180 = arith.constant 0 : i32
        %dma_wait3A_181 = tpu.memref_slice %arg8[%dma_wait3A_173, %dma_wait3A_180] : memref<3x128xi32, #tpu.memory_space<vmem>> -> memref<1x128xi32, #tpu.memory_space<vmem>>
        %dma_wait3A_182 = tpu.memref_squeeze %dma_wait3A_181 : memref<1x128xi32, #tpu.memory_space<vmem>> -> memref<128xi32, #tpu.memory_space<vmem>>
        %dma_wait3A_183 = arith.constant 0 : i32
        %dma_wait3A_184 = tpu.memref_slice %arg4[%add3A, %add3A_172, %dma_wait3A_183] : memref<32x81x128xi32, #tpu.memory_space<hbm>> -> memref<1x1x128xi32, #tpu.memory_space<hbm>>
        %dma_wait3A_185 = tpu.memref_squeeze %dma_wait3A_184 : memref<1x1x128xi32, #tpu.memory_space<hbm>> -> memref<128xi32, #tpu.memory_space<hbm>>
        tpu.wait_dma2 semaphore(%arg17 : memref<!tpu.dma_semaphore, #tpu.memory_space<semaphore_mem>>) src(%dma_wait3A_185 : memref<128xi32, #tpu.memory_space<hbm>>) dst(%dma_wait3A_182 : memref<128xi32, #tpu.memory_space<vmem>>)
        %dma_start3A_186 = arith.constant 2 : i32
        %dma_start3A_187 = arith.constant 0 : i32
        %dma_start3A_188 = tpu.memref_slice %arg7[%dma_start3A_186, %dma_start3A_187] : memref<3x128xi32, #tpu.memory_space<vmem>> -> memref<1x128xi32, #tpu.memory_space<vmem>>
        %dma_start3A_189 = tpu.memref_squeeze %dma_start3A_188 : memref<1x128xi32, #tpu.memory_space<vmem>> -> memref<128xi32, #tpu.memory_space<vmem>>
        %dma_start3A_190 = arith.constant 0 : i32
        %dma_start3A_191 = arith.constant 0 : i32
        %dma_start3A_192 = tpu.memref_slice %arg2[%dma_start3A_190, %dma_start3A_191] : memref<10240x128xf32, #tpu.memory_space<hbm>> -> memref<10240x128xf32, #tpu.memory_space<hbm>>
        tpu.enqueue_indirect_dma source(%dma_start3A_192 : memref<10240x128xf32, #tpu.memory_space<hbm>>) target(%arg11 : memref<128x128xf32, #tpu.memory_space<vmem>>) offsets(%dma_start3A_189 : memref<128xi32, #tpu.memory_space<vmem>>) semaphore(%arg14 : memref<!tpu.dma_semaphore, #tpu.memory_space<semaphore_mem>>)
      } else {
      }
      %run_scoped3A_100 = arith.constant 0 : i32
      "tpu.region"() ({
        %run_scoped3A_156 = tpu.sem_alloc : memref<!tpu.dma_semaphore, #tpu.memory_space<semaphore_mem>>
        %dma_start3A_157 = arith.constant 0 : i32
        %dma_start3A_158 = tpu.memref_slice %arg8[%run_scoped3A_100, %dma_start3A_157] : memref<3x128xi32, #tpu.memory_space<vmem>> -> memref<1x128xi32, #tpu.memory_space<vmem>>
        %dma_start3A_159 = tpu.memref_squeeze %dma_start3A_158 : memref<1x128xi32, #tpu.memory_space<vmem>> -> memref<128xi32, #tpu.memory_space<vmem>>
        %dma_start3A_160 = arith.constant 0 : i32
        %dma_start3A_161 = arith.constant 0 : i32
        %dma_start3A_162 = tpu.memref_slice %arg6[%dma_start3A_160, %dma_start3A_161] : memref<10000x128xf32, #tpu.memory_space<vmem_shared>> -> memref<10000x128xf32, #tpu.memory_space<vmem_shared>>
        tpu.enqueue_indirect_dma source(%arg9 : memref<128x128xf32, #tpu.memory_space<vmem>>) target(%dma_start3A_162 : memref<10000x128xf32, #tpu.memory_space<vmem_shared>>) offsets(%dma_start3A_159 : memref<128xi32, #tpu.memory_space<vmem>>) semaphore(%run_scoped3A_156 : memref<!tpu.dma_semaphore, #tpu.memory_space<semaphore_mem>>) {add = true}
        %dma_wait3A_163 = arith.constant 0 : i32
        %dma_wait3A_164 = tpu.memref_slice %arg8[%run_scoped3A_100, %dma_wait3A_163] : memref<3x128xi32, #tpu.memory_space<vmem>> -> memref<1x128xi32, #tpu.memory_space<vmem>>
        %dma_wait3A_165 = tpu.memref_squeeze %dma_wait3A_164 : memref<1x128xi32, #tpu.memory_space<vmem>> -> memref<128xi32, #tpu.memory_space<vmem>>
        %dma_wait3A_166 = arith.constant 0 : i32
        %dma_wait3A_167 = arith.constant 0 : i32
        %dma_wait3A_168 = tpu.memref_slice %arg6[%dma_wait3A_166, %dma_wait3A_167] : memref<10000x128xf32, #tpu.memory_space<vmem_shared>> -> memref<10000x128xf32, #tpu.memory_space<vmem_shared>>
        tpu.wait_indirect_dma semaphore(%run_scoped3A_156 : memref<!tpu.dma_semaphore, #tpu.memory_space<semaphore_mem>>) src(%arg9 : memref<128x128xf32, #tpu.memory_space<vmem>>) dst(%dma_wait3A_168 : memref<10000x128xf32, #tpu.memory_space<vmem_shared>>)
        tpu.yield
      }) : () -> ()
      %add3A_101 = arith.constant 3 : i32
      %add3A_102 = arith.addi %add3A_87, %add3A_101 : i32
      %lt3A_103 = arith.constant 81 : i32
      %lt3A_104 = arith.cmpi slt, %add3A_102, %lt3A_103 : i32
      %convert_element_type3A_105 = arith.extui %lt3A_104 : i1 to i32
      %cond3A_106 = arith.constant 0 : i32
      %cond3A_107 = arith.cmpi ne, %convert_element_type3A_105, %cond3A_106 : i32
      scf.if %cond3A_107 {
        %add3A_156 = arith.constant 3 : i32
        %add3A_157 = arith.addi %add3A_87, %add3A_156 : i32
        %dma_start3A_158 = arith.constant 0 : i32
        %dma_start3A_159 = arith.constant 0 : i32
        %dma_start3A_160 = tpu.memref_slice %arg7[%dma_start3A_158, %dma_start3A_159] : memref<3x128xi32, #tpu.memory_space<vmem>> -> memref<1x128xi32, #tpu.memory_space<vmem>>
        %dma_start3A_161 = tpu.memref_squeeze %dma_start3A_160 : memref<1x128xi32, #tpu.memory_space<vmem>> -> memref<128xi32, #tpu.memory_space<vmem>>
        %dma_start3A_162 = arith.constant 0 : i32
        %dma_start3A_163 = tpu.memref_slice %arg3[%add3A, %add3A_157, %dma_start3A_162] : memref<32x81x128xi32, #tpu.memory_space<hbm>> -> memref<1x1x128xi32, #tpu.memory_space<hbm>>
        %dma_start3A_164 = tpu.memref_squeeze %dma_start3A_163 : memref<1x1x128xi32, #tpu.memory_space<hbm>> -> memref<128xi32, #tpu.memory_space<hbm>>
        %dma_start3A_165 = arith.constant 0 : i32
        %dma_start3A_166 = tpu.memref_slice %arg7[%dma_start3A_158, %dma_start3A_165] : memref<3x128xi32, #tpu.memory_space<vmem>> -> memref<1x128xi32, #tpu.memory_space<vmem>>
        %dma_start3A_167 = tpu.memref_squeeze %dma_start3A_166 : memref<1x128xi32, #tpu.memory_space<vmem>> -> memref<128xi32, #tpu.memory_space<vmem>>
        %dma_start3A_168 = arith.constant 0 : i32
        %dma_start3A_169 = tpu.memref_slice %arg3[%add3A, %add3A_157, %dma_start3A_168] : memref<32x81x128xi32, #tpu.memory_space<hbm>> -> memref<1x1x128xi32, #tpu.memory_space<hbm>>
        %dma_start3A_170 = tpu.memref_squeeze %dma_start3A_169 : memref<1x1x128xi32, #tpu.memory_space<hbm>> -> memref<128xi32, #tpu.memory_space<hbm>>
        tpu.enqueue_dma source(%dma_start3A_170 : memref<128xi32, #tpu.memory_space<hbm>>) target(%dma_start3A_167 : memref<128xi32, #tpu.memory_space<vmem>>) target_semaphore(%arg15 : memref<!tpu.dma_semaphore, #tpu.memory_space<semaphore_mem>>)
        %add3A_171 = arith.constant 3 : i32
        %add3A_172 = arith.addi %add3A_87, %add3A_171 : i32
        %dma_start3A_173 = arith.constant 0 : i32
        %dma_start3A_174 = arith.constant 0 : i32
        %dma_start3A_175 = tpu.memref_slice %arg8[%dma_start3A_173, %dma_start3A_174] : memref<3x128xi32, #tpu.memory_space<vmem>> -> memref<1x128xi32, #tpu.memory_space<vmem>>
        %dma_start3A_176 = tpu.memref_squeeze %dma_start3A_175 : memref<1x128xi32, #tpu.memory_space<vmem>> -> memref<128xi32, #tpu.memory_space<vmem>>
        %dma_start3A_177 = arith.constant 0 : i32
        %dma_start3A_178 = tpu.memref_slice %arg4[%add3A, %add3A_172, %dma_start3A_177] : memref<32x81x128xi32, #tpu.memory_space<hbm>> -> memref<1x1x128xi32, #tpu.memory_space<hbm>>
        %dma_start3A_179 = tpu.memref_squeeze %dma_start3A_178 : memref<1x1x128xi32, #tpu.memory_space<hbm>> -> memref<128xi32, #tpu.memory_space<hbm>>
        %dma_start3A_180 = arith.constant 0 : i32
        %dma_start3A_181 = tpu.memref_slice %arg8[%dma_start3A_173, %dma_start3A_180] : memref<3x128xi32, #tpu.memory_space<vmem>> -> memref<1x128xi32, #tpu.memory_space<vmem>>
        %dma_start3A_182 = tpu.memref_squeeze %dma_start3A_181 : memref<1x128xi32, #tpu.memory_space<vmem>> -> memref<128xi32, #tpu.memory_space<vmem>>
        %dma_start3A_183 = arith.constant 0 : i32
        %dma_start3A_184 = tpu.memref_slice %arg4[%add3A, %add3A_172, %dma_start3A_183] : memref<32x81x128xi32, #tpu.memory_space<hbm>> -> memref<1x1x128xi32, #tpu.memory_space<hbm>>
        %dma_start3A_185 = tpu.memref_squeeze %dma_start3A_184 : memref<1x1x128xi32, #tpu.memory_space<hbm>> -> memref<128xi32, #tpu.memory_space<hbm>>
        tpu.enqueue_dma source(%dma_start3A_185 : memref<128xi32, #tpu.memory_space<hbm>>) target(%dma_start3A_182 : memref<128xi32, #tpu.memory_space<vmem>>) target_semaphore(%arg15 : memref<!tpu.dma_semaphore, #tpu.memory_space<semaphore_mem>>)
      } else {
      }
      %add3A_108 = arith.constant 1 : i32
      %add3A_109 = arith.addi %mul3A_85, %add3A_108 : i32
      %dma_wait3A_110 = arith.constant 1 : i32
      %dma_wait3A_111 = arith.constant 0 : i32
      %dma_wait3A_112 = tpu.memref_slice %arg7[%dma_wait3A_110, %dma_wait3A_111] : memref<3x128xi32, #tpu.memory_space<vmem>> -> memref<1x128xi32, #tpu.memory_space<vmem>>
      %dma_wait3A_113 = tpu.memref_squeeze %dma_wait3A_112 : memref<1x128xi32, #tpu.memory_space<vmem>> -> memref<128xi32, #tpu.memory_space<vmem>>
      %dma_wait3A_114 = arith.constant 0 : i32
      %dma_wait3A_115 = arith.constant 0 : i32
      %dma_wait3A_116 = tpu.memref_slice %arg2[%dma_wait3A_114, %dma_wait3A_115] : memref<10240x128xf32, #tpu.memory_space<hbm>> -> memref<10240x128xf32, #tpu.memory_space<hbm>>
      tpu.wait_indirect_dma semaphore(%arg13 : memref<!tpu.dma_semaphore, #tpu.memory_space<semaphore_mem>>) src(%dma_wait3A_116 : memref<10240x128xf32, #tpu.memory_space<hbm>>) dst(%arg10 : memref<128x128xf32, #tpu.memory_space<vmem>>)
      %add3A_117 = arith.constant 2 : i32
      %add3A_118 = arith.addi %add3A_109, %add3A_117 : i32
      %lt3A_119 = arith.constant 81 : i32
      %lt3A_120 = arith.cmpi slt, %add3A_118, %lt3A_119 : i32
      %convert_element_type3A_121 = arith.extui %lt3A_120 : i1 to i32
      %cond3A_122 = arith.constant 0 : i32
      %cond3A_123 = arith.cmpi ne, %convert_element_type3A_121, %cond3A_122 : i32
      scf.if %cond3A_123 {
        %add3A_156 = arith.constant 2 : i32
        %add3A_157 = arith.addi %add3A_109, %add3A_156 : i32
        %dma_wait3A_158 = arith.constant 0 : i32
        %dma_wait3A_159 = arith.constant 0 : i32
        %dma_wait3A_160 = tpu.memref_slice %arg7[%dma_wait3A_158, %dma_wait3A_159] : memref<3x128xi32, #tpu.memory_space<vmem>> -> memref<1x128xi32, #tpu.memory_space<vmem>>
        %dma_wait3A_161 = tpu.memref_squeeze %dma_wait3A_160 : memref<1x128xi32, #tpu.memory_space<vmem>> -> memref<128xi32, #tpu.memory_space<vmem>>
        %dma_wait3A_162 = arith.constant 0 : i32
        %dma_wait3A_163 = tpu.memref_slice %arg3[%add3A, %add3A_157, %dma_wait3A_162] : memref<32x81x128xi32, #tpu.memory_space<hbm>> -> memref<1x1x128xi32, #tpu.memory_space<hbm>>
        %dma_wait3A_164 = tpu.memref_squeeze %dma_wait3A_163 : memref<1x1x128xi32, #tpu.memory_space<hbm>> -> memref<128xi32, #tpu.memory_space<hbm>>
        %dma_wait3A_165 = arith.constant 0 : i32
        %dma_wait3A_166 = tpu.memref_slice %arg7[%dma_wait3A_158, %dma_wait3A_165] : memref<3x128xi32, #tpu.memory_space<vmem>> -> memref<1x128xi32, #tpu.memory_space<vmem>>
        %dma_wait3A_167 = tpu.memref_squeeze %dma_wait3A_166 : memref<1x128xi32, #tpu.memory_space<vmem>> -> memref<128xi32, #tpu.memory_space<vmem>>
        %dma_wait3A_168 = arith.constant 0 : i32
        %dma_wait3A_169 = tpu.memref_slice %arg3[%add3A, %add3A_157, %dma_wait3A_168] : memref<32x81x128xi32, #tpu.memory_space<hbm>> -> memref<1x1x128xi32, #tpu.memory_space<hbm>>
        %dma_wait3A_170 = tpu.memref_squeeze %dma_wait3A_169 : memref<1x1x128xi32, #tpu.memory_space<hbm>> -> memref<128xi32, #tpu.memory_space<hbm>>
        tpu.wait_dma2 semaphore(%arg15 : memref<!tpu.dma_semaphore, #tpu.memory_space<semaphore_mem>>) src(%dma_wait3A_170 : memref<128xi32, #tpu.memory_space<hbm>>) dst(%dma_wait3A_167 : memref<128xi32, #tpu.memory_space<vmem>>)
        %add3A_171 = arith.constant 2 : i32
        %add3A_172 = arith.addi %add3A_109, %add3A_171 : i32
        %dma_wait3A_173 = arith.constant 0 : i32
        %dma_wait3A_174 = arith.constant 0 : i32
        %dma_wait3A_175 = tpu.memref_slice %arg8[%dma_wait3A_173, %dma_wait3A_174] : memref<3x128xi32, #tpu.memory_space<vmem>> -> memref<1x128xi32, #tpu.memory_space<vmem>>
        %dma_wait3A_176 = tpu.memref_squeeze %dma_wait3A_175 : memref<1x128xi32, #tpu.memory_space<vmem>> -> memref<128xi32, #tpu.memory_space<vmem>>
        %dma_wait3A_177 = arith.constant 0 : i32
        %dma_wait3A_178 = tpu.memref_slice %arg4[%add3A, %add3A_172, %dma_wait3A_177] : memref<32x81x128xi32, #tpu.memory_space<hbm>> -> memref<1x1x128xi32, #tpu.memory_space<hbm>>
        %dma_wait3A_179 = tpu.memref_squeeze %dma_wait3A_178 : memref<1x1x128xi32, #tpu.memory_space<hbm>> -> memref<128xi32, #tpu.memory_space<hbm>>
        %dma_wait3A_180 = arith.constant 0 : i32
        %dma_wait3A_181 = tpu.memref_slice %arg8[%dma_wait3A_173, %dma_wait3A_180] : memref<3x128xi32, #tpu.memory_space<vmem>> -> memref<1x128xi32, #tpu.memory_space<vmem>>
        %dma_wait3A_182 = tpu.memref_squeeze %dma_wait3A_181 : memref<1x128xi32, #tpu.memory_space<vmem>> -> memref<128xi32, #tpu.memory_space<vmem>>
        %dma_wait3A_183 = arith.constant 0 : i32
        %dma_wait3A_184 = tpu.memref_slice %arg4[%add3A, %add3A_172, %dma_wait3A_183] : memref<32x81x128xi32, #tpu.memory_space<hbm>> -> memref<1x1x128xi32, #tpu.memory_space<hbm>>
        %dma_wait3A_185 = tpu.memref_squeeze %dma_wait3A_184 : memref<1x1x128xi32, #tpu.memory_space<hbm>> -> memref<128xi32, #tpu.memory_space<hbm>>
        tpu.wait_dma2 semaphore(%arg15 : memref<!tpu.dma_semaphore, #tpu.memory_space<semaphore_mem>>) src(%dma_wait3A_185 : memref<128xi32, #tpu.memory_space<hbm>>) dst(%dma_wait3A_182 : memref<128xi32, #tpu.memory_space<vmem>>)
        %dma_start3A_186 = arith.constant 0 : i32
        %dma_start3A_187 = arith.constant 0 : i32
        %dma_start3A_188 = tpu.memref_slice %arg7[%dma_start3A_186, %dma_start3A_187] : memref<3x128xi32, #tpu.memory_space<vmem>> -> memref<1x128xi32, #tpu.memory_space<vmem>>
        %dma_start3A_189 = tpu.memref_squeeze %dma_start3A_188 : memref<1x128xi32, #tpu.memory_space<vmem>> -> memref<128xi32, #tpu.memory_space<vmem>>
        %dma_start3A_190 = arith.constant 0 : i32
        %dma_start3A_191 = arith.constant 0 : i32
        %dma_start3A_192 = tpu.memref_slice %arg2[%dma_start3A_190, %dma_start3A_191] : memref<10240x128xf32, #tpu.memory_space<hbm>> -> memref<10240x128xf32, #tpu.memory_space<hbm>>
        tpu.enqueue_indirect_dma source(%dma_start3A_192 : memref<10240x128xf32, #tpu.memory_space<hbm>>) target(%arg9 : memref<128x128xf32, #tpu.memory_space<vmem>>) offsets(%dma_start3A_189 : memref<128xi32, #tpu.memory_space<vmem>>) semaphore(%arg12 : memref<!tpu.dma_semaphore, #tpu.memory_space<semaphore_mem>>)
      } else {
      }
      %run_scoped3A_124 = arith.constant 1 : i32
      "tpu.region"() ({
        %run_scoped3A_156 = tpu.sem_alloc : memref<!tpu.dma_semaphore, #tpu.memory_space<semaphore_mem>>
        %dma_start3A_157 = arith.constant 0 : i32
        %dma_start3A_158 = tpu.memref_slice %arg8[%run_scoped3A_124, %dma_start3A_157] : memref<3x128xi32, #tpu.memory_space<vmem>> -> memref<1x128xi32, #tpu.memory_space<vmem>>
        %dma_start3A_159 = tpu.memref_squeeze %dma_start3A_158 : memref<1x128xi32, #tpu.memory_space<vmem>> -> memref<128xi32, #tpu.memory_space<vmem>>
        %dma_start3A_160 = arith.constant 0 : i32
        %dma_start3A_161 = arith.constant 0 : i32
        %dma_start3A_162 = tpu.memref_slice %arg6[%dma_start3A_160, %dma_start3A_161] : memref<10000x128xf32, #tpu.memory_space<vmem_shared>> -> memref<10000x128xf32, #tpu.memory_space<vmem_shared>>
        tpu.enqueue_indirect_dma source(%arg10 : memref<128x128xf32, #tpu.memory_space<vmem>>) target(%dma_start3A_162 : memref<10000x128xf32, #tpu.memory_space<vmem_shared>>) offsets(%dma_start3A_159 : memref<128xi32, #tpu.memory_space<vmem>>) semaphore(%run_scoped3A_156 : memref<!tpu.dma_semaphore, #tpu.memory_space<semaphore_mem>>) {add = true}
        %dma_wait3A_163 = arith.constant 0 : i32
        %dma_wait3A_164 = tpu.memref_slice %arg8[%run_scoped3A_124, %dma_wait3A_163] : memref<3x128xi32, #tpu.memory_space<vmem>> -> memref<1x128xi32, #tpu.memory_space<vmem>>
        %dma_wait3A_165 = tpu.memref_squeeze %dma_wait3A_164 : memref<1x128xi32, #tpu.memory_space<vmem>> -> memref<128xi32, #tpu.memory_space<vmem>>
        %dma_wait3A_166 = arith.constant 0 : i32
        %dma_wait3A_167 = arith.constant 0 : i32
        %dma_wait3A_168 = tpu.memref_slice %arg6[%dma_wait3A_166, %dma_wait3A_167] : memref<10000x128xf32, #tpu.memory_space<vmem_shared>> -> memref<10000x128xf32, #tpu.memory_space<vmem_shared>>
        tpu.wait_indirect_dma semaphore(%run_scoped3A_156 : memref<!tpu.dma_semaphore, #tpu.memory_space<semaphore_mem>>) src(%arg10 : memref<128x128xf32, #tpu.memory_space<vmem>>) dst(%dma_wait3A_168 : memref<10000x128xf32, #tpu.memory_space<vmem_shared>>)
        tpu.yield
      }) : () -> ()
      %add3A_125 = arith.constant 3 : i32
      %add3A_126 = arith.addi %add3A_109, %add3A_125 : i32
      %lt3A_127 = arith.constant 81 : i32
      %lt3A_128 = arith.cmpi slt, %add3A_126, %lt3A_127 : i32
      %convert_element_type3A_129 = arith.extui %lt3A_128 : i1 to i32
      %cond3A_130 = arith.constant 0 : i32
      %cond3A_131 = arith.cmpi ne, %convert_element_type3A_129, %cond3A_130 : i32
      scf.if %cond3A_131 {
        %add3A_156 = arith.constant 3 : i32
        %add3A_157 = arith.addi %add3A_109, %add3A_156 : i32
        %dma_start3A_158 = arith.constant 1 : i32
        %dma_start3A_159 = arith.constant 0 : i32
        %dma_start3A_160 = tpu.memref_slice %arg7[%dma_start3A_158, %dma_start3A_159] : memref<3x128xi32, #tpu.memory_space<vmem>> -> memref<1x128xi32, #tpu.memory_space<vmem>>
        %dma_start3A_161 = tpu.memref_squeeze %dma_start3A_160 : memref<1x128xi32, #tpu.memory_space<vmem>> -> memref<128xi32, #tpu.memory_space<vmem>>
        %dma_start3A_162 = arith.constant 0 : i32
        %dma_start3A_163 = tpu.memref_slice %arg3[%add3A, %add3A_157, %dma_start3A_162] : memref<32x81x128xi32, #tpu.memory_space<hbm>> -> memref<1x1x128xi32, #tpu.memory_space<hbm>>
        %dma_start3A_164 = tpu.memref_squeeze %dma_start3A_163 : memref<1x1x128xi32, #tpu.memory_space<hbm>> -> memref<128xi32, #tpu.memory_space<hbm>>
        %dma_start3A_165 = arith.constant 0 : i32
        %dma_start3A_166 = tpu.memref_slice %arg7[%dma_start3A_158, %dma_start3A_165] : memref<3x128xi32, #tpu.memory_space<vmem>> -> memref<1x128xi32, #tpu.memory_space<vmem>>
        %dma_start3A_167 = tpu.memref_squeeze %dma_start3A_166 : memref<1x128xi32, #tpu.memory_space<vmem>> -> memref<128xi32, #tpu.memory_space<vmem>>
        %dma_start3A_168 = arith.constant 0 : i32
        %dma_start3A_169 = tpu.memref_slice %arg3[%add3A, %add3A_157, %dma_start3A_168] : memref<32x81x128xi32, #tpu.memory_space<hbm>> -> memref<1x1x128xi32, #tpu.memory_space<hbm>>
        %dma_start3A_170 = tpu.memref_squeeze %dma_start3A_169 : memref<1x1x128xi32, #tpu.memory_space<hbm>> -> memref<128xi32, #tpu.memory_space<hbm>>
        tpu.enqueue_dma source(%dma_start3A_170 : memref<128xi32, #tpu.memory_space<hbm>>) target(%dma_start3A_167 : memref<128xi32, #tpu.memory_space<vmem>>) target_semaphore(%arg16 : memref<!tpu.dma_semaphore, #tpu.memory_space<semaphore_mem>>)
        %add3A_171 = arith.constant 3 : i32
        %add3A_172 = arith.addi %add3A_109, %add3A_171 : i32
        %dma_start3A_173 = arith.constant 1 : i32
        %dma_start3A_174 = arith.constant 0 : i32
        %dma_start3A_175 = tpu.memref_slice %arg8[%dma_start3A_173, %dma_start3A_174] : memref<3x128xi32, #tpu.memory_space<vmem>> -> memref<1x128xi32, #tpu.memory_space<vmem>>
        %dma_start3A_176 = tpu.memref_squeeze %dma_start3A_175 : memref<1x128xi32, #tpu.memory_space<vmem>> -> memref<128xi32, #tpu.memory_space<vmem>>
        %dma_start3A_177 = arith.constant 0 : i32
        %dma_start3A_178 = tpu.memref_slice %arg4[%add3A, %add3A_172, %dma_start3A_177] : memref<32x81x128xi32, #tpu.memory_space<hbm>> -> memref<1x1x128xi32, #tpu.memory_space<hbm>>
        %dma_start3A_179 = tpu.memref_squeeze %dma_start3A_178 : memref<1x1x128xi32, #tpu.memory_space<hbm>> -> memref<128xi32, #tpu.memory_space<hbm>>
        %dma_start3A_180 = arith.constant 0 : i32
        %dma_start3A_181 = tpu.memref_slice %arg8[%dma_start3A_173, %dma_start3A_180] : memref<3x128xi32, #tpu.memory_space<vmem>> -> memref<1x128xi32, #tpu.memory_space<vmem>>
        %dma_start3A_182 = tpu.memref_squeeze %dma_start3A_181 : memref<1x128xi32, #tpu.memory_space<vmem>> -> memref<128xi32, #tpu.memory_space<vmem>>
        %dma_start3A_183 = arith.constant 0 : i32
        %dma_start3A_184 = tpu.memref_slice %arg4[%add3A, %add3A_172, %dma_start3A_183] : memref<32x81x128xi32, #tpu.memory_space<hbm>> -> memref<1x1x128xi32, #tpu.memory_space<hbm>>
        %dma_start3A_185 = tpu.memref_squeeze %dma_start3A_184 : memref<1x1x128xi32, #tpu.memory_space<hbm>> -> memref<128xi32, #tpu.memory_space<hbm>>
        tpu.enqueue_dma source(%dma_start3A_185 : memref<128xi32, #tpu.memory_space<hbm>>) target(%dma_start3A_182 : memref<128xi32, #tpu.memory_space<vmem>>) target_semaphore(%arg16 : memref<!tpu.dma_semaphore, #tpu.memory_space<semaphore_mem>>)
      } else {
      }
      %add3A_132 = arith.constant 2 : i32
      %add3A_133 = arith.addi %mul3A_85, %add3A_132 : i32
      %dma_wait3A_134 = arith.constant 2 : i32
      %dma_wait3A_135 = arith.constant 0 : i32
      %dma_wait3A_136 = tpu.memref_slice %arg7[%dma_wait3A_134, %dma_wait3A_135] : memref<3x128xi32, #tpu.memory_space<vmem>> -> memref<1x128xi32, #tpu.memory_space<vmem>>
      %dma_wait3A_137 = tpu.memref_squeeze %dma_wait3A_136 : memref<1x128xi32, #tpu.memory_space<vmem>> -> memref<128xi32, #tpu.memory_space<vmem>>
      %dma_wait3A_138 = arith.constant 0 : i32
      %dma_wait3A_139 = arith.constant 0 : i32
      %dma_wait3A_140 = tpu.memref_slice %arg2[%dma_wait3A_138, %dma_wait3A_139] : memref<10240x128xf32, #tpu.memory_space<hbm>> -> memref<10240x128xf32, #tpu.memory_space<hbm>>
      tpu.wait_indirect_dma semaphore(%arg14 : memref<!tpu.dma_semaphore, #tpu.memory_space<semaphore_mem>>) src(%dma_wait3A_140 : memref<10240x128xf32, #tpu.memory_space<hbm>>) dst(%arg11 : memref<128x128xf32, #tpu.memory_space<vmem>>)
      %add3A_141 = arith.constant 2 : i32
      %add3A_142 = arith.addi %add3A_133, %add3A_141 : i32
      %lt3A_143 = arith.constant 81 : i32
      %lt3A_144 = arith.cmpi slt, %add3A_142, %lt3A_143 : i32
      %convert_element_type3A_145 = arith.extui %lt3A_144 : i1 to i32
      %cond3A_146 = arith.constant 0 : i32
      %cond3A_147 = arith.cmpi ne, %convert_element_type3A_145, %cond3A_146 : i32
      scf.if %cond3A_147 {
        %add3A_156 = arith.constant 2 : i32
        %add3A_157 = arith.addi %add3A_133, %add3A_156 : i32
        %dma_wait3A_158 = arith.constant 1 : i32
        %dma_wait3A_159 = arith.constant 0 : i32
        %dma_wait3A_160 = tpu.memref_slice %arg7[%dma_wait3A_158, %dma_wait3A_159] : memref<3x128xi32, #tpu.memory_space<vmem>> -> memref<1x128xi32, #tpu.memory_space<vmem>>
        %dma_wait3A_161 = tpu.memref_squeeze %dma_wait3A_160 : memref<1x128xi32, #tpu.memory_space<vmem>> -> memref<128xi32, #tpu.memory_space<vmem>>
        %dma_wait3A_162 = arith.constant 0 : i32
        %dma_wait3A_163 = tpu.memref_slice %arg3[%add3A, %add3A_157, %dma_wait3A_162] : memref<32x81x128xi32, #tpu.memory_space<hbm>> -> memref<1x1x128xi32, #tpu.memory_space<hbm>>
        %dma_wait3A_164 = tpu.memref_squeeze %dma_wait3A_163 : memref<1x1x128xi32, #tpu.memory_space<hbm>> -> memref<128xi32, #tpu.memory_space<hbm>>
        %dma_wait3A_165 = arith.constant 0 : i32
        %dma_wait3A_166 = tpu.memref_slice %arg7[%dma_wait3A_158, %dma_wait3A_165] : memref<3x128xi32, #tpu.memory_space<vmem>> -> memref<1x128xi32, #tpu.memory_space<vmem>>
        %dma_wait3A_167 = tpu.memref_squeeze %dma_wait3A_166 : memref<1x128xi32, #tpu.memory_space<vmem>> -> memref<128xi32, #tpu.memory_space<vmem>>
        %dma_wait3A_168 = arith.constant 0 : i32
        %dma_wait3A_169 = tpu.memref_slice %arg3[%add3A, %add3A_157, %dma_wait3A_168] : memref<32x81x128xi32, #tpu.memory_space<hbm>> -> memref<1x1x128xi32, #tpu.memory_space<hbm>>
        %dma_wait3A_170 = tpu.memref_squeeze %dma_wait3A_169 : memref<1x1x128xi32, #tpu.memory_space<hbm>> -> memref<128xi32, #tpu.memory_space<hbm>>
        tpu.wait_dma2 semaphore(%arg16 : memref<!tpu.dma_semaphore, #tpu.memory_space<semaphore_mem>>) src(%dma_wait3A_170 : memref<128xi32, #tpu.memory_space<hbm>>) dst(%dma_wait3A_167 : memref<128xi32, #tpu.memory_space<vmem>>)
        %add3A_171 = arith.constant 2 : i32
        %add3A_172 = arith.addi %add3A_133, %add3A_171 : i32
        %dma_wait3A_173 = arith.constant 1 : i32
        %dma_wait3A_174 = arith.constant 0 : i32
        %dma_wait3A_175 = tpu.memref_slice %arg8[%dma_wait3A_173, %dma_wait3A_174] : memref<3x128xi32, #tpu.memory_space<vmem>> -> memref<1x128xi32, #tpu.memory_space<vmem>>
        %dma_wait3A_176 = tpu.memref_squeeze %dma_wait3A_175 : memref<1x128xi32, #tpu.memory_space<vmem>> -> memref<128xi32, #tpu.memory_space<vmem>>
        %dma_wait3A_177 = arith.constant 0 : i32
        %dma_wait3A_178 = tpu.memref_slice %arg4[%add3A, %add3A_172, %dma_wait3A_177] : memref<32x81x128xi32, #tpu.memory_space<hbm>> -> memref<1x1x128xi32, #tpu.memory_space<hbm>>
        %dma_wait3A_179 = tpu.memref_squeeze %dma_wait3A_178 : memref<1x1x128xi32, #tpu.memory_space<hbm>> -> memref<128xi32, #tpu.memory_space<hbm>>
        %dma_wait3A_180 = arith.constant 0 : i32
        %dma_wait3A_181 = tpu.memref_slice %arg8[%dma_wait3A_173, %dma_wait3A_180] : memref<3x128xi32, #tpu.memory_space<vmem>> -> memref<1x128xi32, #tpu.memory_space<vmem>>
        %dma_wait3A_182 = tpu.memref_squeeze %dma_wait3A_181 : memref<1x128xi32, #tpu.memory_space<vmem>> -> memref<128xi32, #tpu.memory_space<vmem>>
        %dma_wait3A_183 = arith.constant 0 : i32
        %dma_wait3A_184 = tpu.memref_slice %arg4[%add3A, %add3A_172, %dma_wait3A_183] : memref<32x81x128xi32, #tpu.memory_space<hbm>> -> memref<1x1x128xi32, #tpu.memory_space<hbm>>
        %dma_wait3A_185 = tpu.memref_squeeze %dma_wait3A_184 : memref<1x1x128xi32, #tpu.memory_space<hbm>> -> memref<128xi32, #tpu.memory_space<hbm>>
        tpu.wait_dma2 semaphore(%arg16 : memref<!tpu.dma_semaphore, #tpu.memory_space<semaphore_mem>>) src(%dma_wait3A_185 : memref<128xi32, #tpu.memory_space<hbm>>) dst(%dma_wait3A_182 : memref<128xi32, #tpu.memory_space<vmem>>)
        %dma_start3A_186 = arith.constant 1 : i32
        %dma_start3A_187 = arith.constant 0 : i32
        %dma_start3A_188 = tpu.memref_slice %arg7[%dma_start3A_186, %dma_start3A_187] : memref<3x128xi32, #tpu.memory_space<vmem>> -> memref<1x128xi32, #tpu.memory_space<vmem>>
        %dma_start3A_189 = tpu.memref_squeeze %dma_start3A_188 : memref<1x128xi32, #tpu.memory_space<vmem>> -> memref<128xi32, #tpu.memory_space<vmem>>
        %dma_start3A_190 = arith.constant 0 : i32
        %dma_start3A_191 = arith.constant 0 : i32
        %dma_start3A_192 = tpu.memref_slice %arg2[%dma_start3A_190, %dma_start3A_191] : memref<10240x128xf32, #tpu.memory_space<hbm>> -> memref<10240x128xf32, #tpu.memory_space<hbm>>
        tpu.enqueue_indirect_dma source(%dma_start3A_192 : memref<10240x128xf32, #tpu.memory_space<hbm>>) target(%arg10 : memref<128x128xf32, #tpu.memory_space<vmem>>) offsets(%dma_start3A_189 : memref<128xi32, #tpu.memory_space<vmem>>) semaphore(%arg13 : memref<!tpu.dma_semaphore, #tpu.memory_space<semaphore_mem>>)
      } else {
      }
      %run_scoped3A_148 = arith.constant 2 : i32
      "tpu.region"() ({
        %run_scoped3A_156 = tpu.sem_alloc : memref<!tpu.dma_semaphore, #tpu.memory_space<semaphore_mem>>
        %dma_start3A_157 = arith.constant 0 : i32
        %dma_start3A_158 = tpu.memref_slice %arg8[%run_scoped3A_148, %dma_start3A_157] : memref<3x128xi32, #tpu.memory_space<vmem>> -> memref<1x128xi32, #tpu.memory_space<vmem>>
        %dma_start3A_159 = tpu.memref_squeeze %dma_start3A_158 : memref<1x128xi32, #tpu.memory_space<vmem>> -> memref<128xi32, #tpu.memory_space<vmem>>
        %dma_start3A_160 = arith.constant 0 : i32
        %dma_start3A_161 = arith.constant 0 : i32
        %dma_start3A_162 = tpu.memref_slice %arg6[%dma_start3A_160, %dma_start3A_161] : memref<10000x128xf32, #tpu.memory_space<vmem_shared>> -> memref<10000x128xf32, #tpu.memory_space<vmem_shared>>
        tpu.enqueue_indirect_dma source(%arg11 : memref<128x128xf32, #tpu.memory_space<vmem>>) target(%dma_start3A_162 : memref<10000x128xf32, #tpu.memory_space<vmem_shared>>) offsets(%dma_start3A_159 : memref<128xi32, #tpu.memory_space<vmem>>) semaphore(%run_scoped3A_156 : memref<!tpu.dma_semaphore, #tpu.memory_space<semaphore_mem>>) {add = true}
        %dma_wait3A_163 = arith.constant 0 : i32
        %dma_wait3A_164 = tpu.memref_slice %arg8[%run_scoped3A_148, %dma_wait3A_163] : memref<3x128xi32, #tpu.memory_space<vmem>> -> memref<1x128xi32, #tpu.memory_space<vmem>>
        %dma_wait3A_165 = tpu.memref_squeeze %dma_wait3A_164 : memref<1x128xi32, #tpu.memory_space<vmem>> -> memref<128xi32, #tpu.memory_space<vmem>>
        %dma_wait3A_166 = arith.constant 0 : i32
        %dma_wait3A_167 = arith.constant 0 : i32
        %dma_wait3A_168 = tpu.memref_slice %arg6[%dma_wait3A_166, %dma_wait3A_167] : memref<10000x128xf32, #tpu.memory_space<vmem_shared>> -> memref<10000x128xf32, #tpu.memory_space<vmem_shared>>
        tpu.wait_indirect_dma semaphore(%run_scoped3A_156 : memref<!tpu.dma_semaphore, #tpu.memory_space<semaphore_mem>>) src(%arg11 : memref<128x128xf32, #tpu.memory_space<vmem>>) dst(%dma_wait3A_168 : memref<10000x128xf32, #tpu.memory_space<vmem_shared>>)
        tpu.yield
      }) : () -> ()
      %add3A_149 = arith.constant 3 : i32
      %add3A_150 = arith.addi %add3A_133, %add3A_149 : i32
      %lt3A_151 = arith.constant 81 : i32
      %lt3A_152 = arith.cmpi slt, %add3A_150, %lt3A_151 : i32
      %convert_element_type3A_153 = arith.extui %lt3A_152 : i1 to i32
      %cond3A_154 = arith.constant 0 : i32
      %cond3A_155 = arith.cmpi ne, %convert_element_type3A_153, %cond3A_154 : i32
      scf.if %cond3A_155 {
        %add3A_156 = arith.constant 3 : i32
        %add3A_157 = arith.addi %add3A_133, %add3A_156 : i32
        %dma_start3A_158 = arith.constant 2 : i32
        %dma_start3A_159 = arith.constant 0 : i32
        %dma_start3A_160 = tpu.memref_slice %arg7[%dma_start3A_158, %dma_start3A_159] : memref<3x128xi32, #tpu.memory_space<vmem>> -> memref<1x128xi32, #tpu.memory_space<vmem>>
        %dma_start3A_161 = tpu.memref_squeeze %dma_start3A_160 : memref<1x128xi32, #tpu.memory_space<vmem>> -> memref<128xi32, #tpu.memory_space<vmem>>
        %dma_start3A_162 = arith.constant 0 : i32
        %dma_start3A_163 = tpu.memref_slice %arg3[%add3A, %add3A_157, %dma_start3A_162] : memref<32x81x128xi32, #tpu.memory_space<hbm>> -> memref<1x1x128xi32, #tpu.memory_space<hbm>>
        %dma_start3A_164 = tpu.memref_squeeze %dma_start3A_163 : memref<1x1x128xi32, #tpu.memory_space<hbm>> -> memref<128xi32, #tpu.memory_space<hbm>>
        %dma_start3A_165 = arith.constant 0 : i32
        %dma_start3A_166 = tpu.memref_slice %arg7[%dma_start3A_158, %dma_start3A_165] : memref<3x128xi32, #tpu.memory_space<vmem>> -> memref<1x128xi32, #tpu.memory_space<vmem>>
        %dma_start3A_167 = tpu.memref_squeeze %dma_start3A_166 : memref<1x128xi32, #tpu.memory_space<vmem>> -> memref<128xi32, #tpu.memory_space<vmem>>
        %dma_start3A_168 = arith.constant 0 : i32
        %dma_start3A_169 = tpu.memref_slice %arg3[%add3A, %add3A_157, %dma_start3A_168] : memref<32x81x128xi32, #tpu.memory_space<hbm>> -> memref<1x1x128xi32, #tpu.memory_space<hbm>>
        %dma_start3A_170 = tpu.memref_squeeze %dma_start3A_169 : memref<1x1x128xi32, #tpu.memory_space<hbm>> -> memref<128xi32, #tpu.memory_space<hbm>>
        tpu.enqueue_dma source(%dma_start3A_170 : memref<128xi32, #tpu.memory_space<hbm>>) target(%dma_start3A_167 : memref<128xi32, #tpu.memory_space<vmem>>) target_semaphore(%arg17 : memref<!tpu.dma_semaphore, #tpu.memory_space<semaphore_mem>>)
        %add3A_171 = arith.constant 3 : i32
        %add3A_172 = arith.addi %add3A_133, %add3A_171 : i32
        %dma_start3A_173 = arith.constant 2 : i32
        %dma_start3A_174 = arith.constant 0 : i32
        %dma_start3A_175 = tpu.memref_slice %arg8[%dma_start3A_173, %dma_start3A_174] : memref<3x128xi32, #tpu.memory_space<vmem>> -> memref<1x128xi32, #tpu.memory_space<vmem>>
        %dma_start3A_176 = tpu.memref_squeeze %dma_start3A_175 : memref<1x128xi32, #tpu.memory_space<vmem>> -> memref<128xi32, #tpu.memory_space<vmem>>
        %dma_start3A_177 = arith.constant 0 : i32
        %dma_start3A_178 = tpu.memref_slice %arg4[%add3A, %add3A_172, %dma_start3A_177] : memref<32x81x128xi32, #tpu.memory_space<hbm>> -> memref<1x1x128xi32, #tpu.memory_space<hbm>>
        %dma_start3A_179 = tpu.memref_squeeze %dma_start3A_178 : memref<1x1x128xi32, #tpu.memory_space<hbm>> -> memref<128xi32, #tpu.memory_space<hbm>>
        %dma_start3A_180 = arith.constant 0 : i32
        %dma_start3A_181 = tpu.memref_slice %arg8[%dma_start3A_173, %dma_start3A_180] : memref<3x128xi32, #tpu.memory_space<vmem>> -> memref<1x128xi32, #tpu.memory_space<vmem>>
        %dma_start3A_182 = tpu.memref_squeeze %dma_start3A_181 : memref<1x128xi32, #tpu.memory_space<vmem>> -> memref<128xi32, #tpu.memory_space<vmem>>
        %dma_start3A_183 = arith.constant 0 : i32
        %dma_start3A_184 = tpu.memref_slice %arg4[%add3A, %add3A_172, %dma_start3A_183] : memref<32x81x128xi32, #tpu.memory_space<hbm>> -> memref<1x1x128xi32, #tpu.memory_space<hbm>>
        %dma_start3A_185 = tpu.memref_squeeze %dma_start3A_184 : memref<1x1x128xi32, #tpu.memory_space<hbm>> -> memref<128xi32, #tpu.memory_space<hbm>>
        tpu.enqueue_dma source(%dma_start3A_185 : memref<128xi32, #tpu.memory_space<hbm>>) target(%dma_start3A_182 : memref<128xi32, #tpu.memory_space<vmem>>) target_semaphore(%arg17 : memref<!tpu.dma_semaphore, #tpu.memory_space<semaphore_mem>>)
      } else {
      }
    }
    %scan3A_76 = arith.constant 27 : i32
    %barrier3A_77 = arith.constant 0 : index
    tpu.barrier barrier_id(%barrier3A_77)
    "tpu.region"() ({
      %run_scoped3A_83 = tpu.sem_alloc : memref<!tpu.dma_semaphore, #tpu.memory_space<semaphore_mem>>
      %dma_start3A_84 = arith.constant 0 : i32
      %dma_start3A_85 = tpu.memref_slice %arg5[%arg0, %mul3A_8, %dma_start3A_84] : memref<2x10000x128xf32, #tpu.memory_space<hbm>> -> memref<1x624x128xf32, #tpu.memory_space<hbm>>
      %dma_start3A_86 = tpu.memref_squeeze %dma_start3A_85 : memref<1x624x128xf32, #tpu.memory_space<hbm>> -> memref<624x128xf32, #tpu.memory_space<hbm>>
      %dma_start3A_87 = arith.constant 0 : i32
      %dma_start3A_88 = tpu.memref_slice %arg6[%mul3A_8, %dma_start3A_87] : memref<10000x128xf32, #tpu.memory_space<vmem_shared>> -> memref<624x128xf32, #tpu.memory_space<vmem_shared>>
      tpu.enqueue_dma source(%dma_start3A_88 : memref<624x128xf32, #tpu.memory_space<vmem_shared>>) target(%dma_start3A_86 : memref<624x128xf32, #tpu.memory_space<hbm>>) target_semaphore(%run_scoped3A_83 : memref<!tpu.dma_semaphore, #tpu.memory_space<semaphore_mem>>)
      %dma_wait3A = arith.constant 0 : i32
      %dma_wait3A_89 = tpu.memref_slice %arg5[%arg0, %mul3A_8, %dma_wait3A] : memref<2x10000x128xf32, #tpu.memory_space<hbm>> -> memref<1x624x128xf32, #tpu.memory_space<hbm>>
      %dma_wait3A_90 = tpu.memref_squeeze %dma_wait3A_89 : memref<1x624x128xf32, #tpu.memory_space<hbm>> -> memref<624x128xf32, #tpu.memory_space<hbm>>
      %dma_wait3A_91 = arith.constant 0 : i32
      %dma_wait3A_92 = tpu.memref_slice %arg6[%mul3A_8, %dma_wait3A_91] : memref<10000x128xf32, #tpu.memory_space<vmem_shared>> -> memref<624x128xf32, #tpu.memory_space<vmem_shared>>
      tpu.wait_dma2 semaphore(%run_scoped3A_83 : memref<!tpu.dma_semaphore, #tpu.memory_space<semaphore_mem>>) src(%dma_wait3A_92 : memref<624x128xf32, #tpu.memory_space<vmem_shared>>) dst(%dma_wait3A_90 : memref<624x128xf32, #tpu.memory_space<hbm>>)
      tpu.yield
    }) : () -> ()
    %eq3A_78 = arith.constant 15 : i32
    %eq3A_79 = arith.cmpi eq, %arg1, %eq3A_78 : i32
    %convert_element_type3A_80 = arith.extui %eq3A_79 : i1 to i32
    %cond3A_81 = arith.constant 0 : i32
    %cond3A_82 = arith.cmpi ne, %convert_element_type3A_80, %cond3A_81 : i32
    scf.if %cond3A_82 {
      "tpu.region"() ({
        %run_scoped3A_83 = tpu.sem_alloc : memref<!tpu.dma_semaphore, #tpu.memory_space<semaphore_mem>>
        %dma_start3A_84 = arith.constant 9984 : i32
        %dma_start3A_85 = arith.constant 0 : i32
        %dma_start3A_86 = tpu.memref_slice %arg5[%arg0, %dma_start3A_84, %dma_start3A_85] : memref<2x10000x128xf32, #tpu.memory_space<hbm>> -> memref<1x16x128xf32, #tpu.memory_space<hbm>>
        %dma_start3A_87 = tpu.memref_squeeze %dma_start3A_86 : memref<1x16x128xf32, #tpu.memory_space<hbm>> -> memref<16x128xf32, #tpu.memory_space<hbm>>
        %dma_start3A_88 = arith.constant 9984 : i32
        %dma_start3A_89 = arith.constant 0 : i32
        %dma_start3A_90 = tpu.memref_slice %arg6[%dma_start3A_88, %dma_start3A_89] : memref<10000x128xf32, #tpu.memory_space<vmem_shared>> -> memref<16x128xf32, #tpu.memory_space<vmem_shared>>
        tpu.enqueue_dma source(%dma_start3A_90 : memref<16x128xf32, #tpu.memory_space<vmem_shared>>) target(%dma_start3A_87 : memref<16x128xf32, #tpu.memory_space<hbm>>) target_semaphore(%run_scoped3A_83 : memref<!tpu.dma_semaphore, #tpu.memory_space<semaphore_mem>>)
        %dma_wait3A = arith.constant 9984 : i32
        %dma_wait3A_91 = arith.constant 0 : i32
        %dma_wait3A_92 = tpu.memref_slice %arg5[%arg0, %dma_wait3A, %dma_wait3A_91] : memref<2x10000x128xf32, #tpu.memory_space<hbm>> -> memref<1x16x128xf32, #tpu.memory_space<hbm>>
        %dma_wait3A_93 = tpu.memref_squeeze %dma_wait3A_92 : memref<1x16x128xf32, #tpu.memory_space<hbm>> -> memref<16x128xf32, #tpu.memory_space<hbm>>
        %dma_wait3A_94 = arith.constant 9984 : i32
        %dma_wait3A_95 = arith.constant 0 : i32
        %dma_wait3A_96 = tpu.memref_slice %arg6[%dma_wait3A_94, %dma_wait3A_95] : memref<10000x128xf32, #tpu.memory_space<vmem_shared>> -> memref<16x128xf32, #tpu.memory_space<vmem_shared>>
        tpu.wait_dma2 semaphore(%run_scoped3A_83 : memref<!tpu.dma_semaphore, #tpu.memory_space<semaphore_mem>>) src(%dma_wait3A_96 : memref<16x128xf32, #tpu.memory_space<vmem_shared>>) dst(%dma_wait3A_93 : memref<16x128xf32, #tpu.memory_space<hbm>>)
        tpu.yield
      }) : () -> ()
    } else {
    }
    return
  }
}

module attributes {stable_mosaic.version = 14 : i64} {
  func.func @_scale_body(%arg0: i32, %arg1: memref<1x512x1xf32, #tpu.memory_space<vmem>>, %arg2: memref<1x512x1xf32, #tpu.memory_space<vmem>>, %arg3: memref<512x128xf32, #tpu.memory_space<vmem>>, %arg4: memref<512x128xf32, #tpu.memory_space<vmem>>, %arg5: memref<512x1xf32, #tpu.memory_space<vmem>>) attributes {dimension_semantics = [#tpu.dimension_semantics<arbitrary>], iteration_bounds = array<i64: 20>, scalar_prefetch = 0 : i64, scratch_operands = 0 : i64, tpu.core_type = #tpu.core_type<tc>, window_params = [{transform_indices = @transform_0, window_bounds = array<i64: 1, 512, 1>}, {transform_indices = @transform_1, window_bounds = array<i64: 1, 512, 1>}, {transform_indices = @transform_2, window_bounds = array<i64: 512, 128>}, {transform_indices = @transform_3, window_bounds = array<i64: 512, 128>}, {transform_indices = @transform_4, window_bounds = array<i64: 512, 1>}]} {
    %get3A = arith.constant 0 : index
    %get3A_0 = arith.constant 0 : index
    %get3A_1 = arith.constant 0 : index
    %get3A_2 = vector.load %arg1[%get3A, %get3A_0, %get3A_1] : memref<1x512x1xf32, #tpu.memory_space<vmem>>, vector<1x512x1xf32>
    %get3A_3 = vector.shape_cast %get3A_2 : vector<1x512x1xf32> to vector<512xf32>
    %get3A_4 = arith.constant 0 : index
    %get3A_5 = arith.constant 0 : index
    %get3A_6 = arith.constant 0 : index
    %get3A_7 = vector.load %arg2[%get3A_4, %get3A_5, %get3A_6] : memref<1x512x1xf32, #tpu.memory_space<vmem>>, vector<1x512x1xf32>
    %get3A_8 = vector.shape_cast %get3A_7 : vector<1x512x1xf32> to vector<512xf32>
    %add3A = arith.addf %get3A_3, %get3A_8 : vector<512xf32>
    %max3A = arith.constant 1.000000e+00 : f32
    %max3A_9 = vector.broadcast %max3A : f32 to vector<512xf32>
    %max3A_10 = arith.maximumf %add3A, %max3A_9 : vector<512xf32>
    %rsqrt3A = math.rsqrt %max3A_10 : vector<512xf32>
    %broadcast_in_dim3A = vector.shape_cast %rsqrt3A : vector<512xf32> to vector<512x1xf32>
    %mul3A = arith.constant 512 : i32
    %mul3A_11 = arith.muli %arg0, %mul3A : i32
    %iota3A = tpu.iota {dimensions = array<i32: 0>} : vector<512x1xi32>
    %add3A_12 = vector.broadcast %mul3A_11 : i32 to vector<512x1xi32>
    %add3A_13 = arith.addi %add3A_12, %iota3A : vector<512x1xi32>
    %ge3A = arith.constant 10000 : i32
    %ge3A_14 = vector.broadcast %ge3A : i32 to vector<512x1xi32>
    %ge3A_15 = arith.cmpi sge, %add3A_13, %ge3A_14 : vector<512x1xi32>
    %get3A_16 = arith.constant 0 : index
    %get3A_17 = arith.constant 0 : index
    %get3A_18 = vector.load %arg3[%get3A_16, %get3A_17] : memref<512x128xf32, #tpu.memory_space<vmem>>, vector<512x128xf32>
    %mul3A_19 = vector.broadcast %broadcast_in_dim3A : vector<512x1xf32> to vector<512x128xf32>
    %mul3A_20 = arith.mulf %get3A_18, %mul3A_19 : vector<512x128xf32>
    %jit3A = arith.constant 0.000000e+00 : f32
    %broadcast_in_dim3A_21 = vector.shape_cast %ge3A_15 : vector<512x1xi1> to vector<512x1xi1>
    %broadcast_in_dim3A_22 = vector.broadcast %broadcast_in_dim3A_21 : vector<512x1xi1> to vector<512x128xi1>
    %broadcast_in_dim3A_23 = vector.broadcast %jit3A : f32 to vector<512x128xf32>
    %select_n3A = arith.select %broadcast_in_dim3A_22, %broadcast_in_dim3A_23, %mul3A_20 : vector<512x128xi1>, vector<512x128xf32>
    %swap3A = arith.constant 0 : index
    %swap3A_24 = arith.constant 0 : index
    %swap3A_25 = vector.load %arg4[%swap3A, %swap3A_24] : memref<512x128xf32, #tpu.memory_space<vmem>>, vector<512x128xf32>
    tpu.vector_store %arg4[%swap3A, %swap3A_24], %select_n3A {strides = array<i32>} : memref<512x128xf32, #tpu.memory_space<vmem>>, vector<512x128xf32>,
    %jit3A_26 = arith.constant 1.000000e+00 : f32
    %broadcast_in_dim3A_27 = vector.broadcast %jit3A_26 : f32 to vector<512x1xf32>
    %select_n3A_28 = arith.select %ge3A_15, %broadcast_in_dim3A_27, %broadcast_in_dim3A : vector<512x1xi1>, vector<512x1xf32>
    %swap3A_29 = arith.constant 0 : index
    %swap3A_30 = arith.constant 0 : index
    %swap3A_31 = vector.load %arg5[%swap3A_29, %swap3A_30] : memref<512x1xf32, #tpu.memory_space<vmem>>, vector<512x1xf32>
    tpu.vector_store %arg5[%swap3A_29, %swap3A_30], %select_n3A_28 {strides = array<i32>} : memref<512x1xf32, #tpu.memory_space<vmem>>, vector<512x1xf32>,
    return
  }
  func.func @transform_0(%arg0: i32) -> (i32, i32, i32) {
    %c0_i32 = arith.constant 0 : i32
    %c0_i32_0 = arith.constant 0 : i32
    %c0_i32_1 = arith.constant 0 : i32
    return %c0_i32, %arg0, %c0_i32_0 : i32, i32, i32
  }
  func.func @transform_1(%arg0: i32) -> (i32, i32, i32) {
    %c1_i32 = arith.constant 1 : i32
    %c0_i32 = arith.constant 0 : i32
    %c0_i32_0 = arith.constant 0 : i32
    return %c1_i32, %arg0, %c0_i32 : i32, i32, i32
  }
  func.func @transform_2(%arg0: i32) -> (i32, i32) {
    %c0_i32 = arith.constant 0 : i32
    %c0_i32_0 = arith.constant 0 : i32
    return %arg0, %c0_i32 : i32, i32
  }
  func.func @transform_3(%arg0: i32) -> (i32, i32) {
    %c0_i32 = arith.constant 0 : i32
    %c0_i32_0 = arith.constant 0 : i32
    return %arg0, %c0_i32 : i32, i32
  }
  func.func @transform_4(%arg0: i32) -> (i32, i32) {
    %c0_i32 = arith.constant 0 : i32
    %c0_i32_0 = arith.constant 0 : i32
    return %arg0, %c0_i32 : i32, i32
  }
}

module attributes {stable_mosaic.version = 14 : i64} {
  func.func @_matmul_body(%arg0: i32, %arg1: memref<2x400x128xf32, #tpu.memory_space<vmem>>, %arg2: memref<400x1xf32, #tpu.memory_space<vmem>>, %arg3: memref<128x128xf32, #tpu.memory_space<vmem>>, %arg4: memref<1x128xf32, #tpu.memory_space<vmem>>, %arg5: memref<400x128xf32, #tpu.memory_space<vmem>>) attributes {dimension_semantics = [#tpu.dimension_semantics<arbitrary>], iteration_bounds = array<i64: 25>, scalar_prefetch = 0 : i64, scratch_operands = 0 : i64, tpu.core_type = #tpu.core_type<tc>, window_params = [{transform_indices = @transform_0, window_bounds = array<i64: 2, 400, 128>}, {transform_indices = @transform_1, window_bounds = array<i64: 400, 1>}, {pipeline_mode = #tpu.pipeline_mode<synchronous>, transform_indices = @transform_2, window_bounds = array<i64: 128, 128>}, {pipeline_mode = #tpu.pipeline_mode<synchronous>, transform_indices = @transform_3, window_bounds = array<i64: 1, 128>}, {transform_indices = @transform_4, window_bounds = array<i64: 400, 128>}]} {
    %get3A = arith.constant 0 : index
    %get3A_0 = arith.constant 0 : index
    %get3A_1 = arith.constant 0 : index
    %get3A_2 = vector.load %arg1[%get3A, %get3A_0, %get3A_1] : memref<2x400x128xf32, #tpu.memory_space<vmem>>, vector<1x400x128xf32>
    %get3A_3 = vector.shape_cast %get3A_2 : vector<1x400x128xf32> to vector<400x128xf32>
    %get3A_4 = arith.constant 1 : index
    %get3A_5 = arith.constant 0 : index
    %get3A_6 = arith.constant 0 : index
    %get3A_7 = vector.load %arg1[%get3A_4, %get3A_5, %get3A_6] : memref<2x400x128xf32, #tpu.memory_space<vmem>>, vector<1x400x128xf32>
    %get3A_8 = vector.shape_cast %get3A_7 : vector<1x400x128xf32> to vector<400x128xf32>
    %add3A = arith.addf %get3A_3, %get3A_8 : vector<400x128xf32>
    %get3A_9 = arith.constant 0 : index
    %get3A_10 = arith.constant 0 : index
    %get3A_11 = vector.load %arg2[%get3A_9, %get3A_10] : memref<400x1xf32, #tpu.memory_space<vmem>>, vector<400x1xf32>
    %mul3A = vector.broadcast %get3A_11 : vector<400x1xf32> to vector<400x128xf32>
    %mul3A_12 = arith.mulf %add3A, %mul3A : vector<400x128xf32>
    %get3A_13 = arith.constant 0 : index
    %get3A_14 = arith.constant 0 : index
    %get3A_15 = vector.load %arg3[%get3A_13, %get3A_14] : memref<128x128xf32, #tpu.memory_space<vmem>>, vector<128x128xf32>
    %dot_general3A = arith.constant dense<0.000000e+00> : vector<400x128xf32>
    %dot_general3A_16 = tpu.matmul %mul3A_12, %get3A_15, %dot_general3A {dimension_numbers = #tpu.dot_dimension_numbers<[1], [0], [0], [1], [0, 0, 1, 1], [], []>, transpose_lhs_hint = false} : vector<400x128xf32>, vector<128x128xf32>, vector<400x128xf32> -> vector<400x128xf32>
    %get3A_17 = arith.constant 0 : index
    %get3A_18 = arith.constant 0 : index
    %get3A_19 = vector.load %arg4[%get3A_17, %get3A_18] : memref<1x128xf32, #tpu.memory_space<vmem>>, vector<1x128xf32>
    %add3A_20 = vector.broadcast %get3A_19 : vector<1x128xf32> to vector<400x128xf32>
    %add3A_21 = arith.addf %dot_general3A_16, %add3A_20 : vector<400x128xf32>
    %swap3A = arith.constant 0 : index
    %swap3A_22 = arith.constant 0 : index
    %swap3A_23 = vector.load %arg5[%swap3A, %swap3A_22] : memref<400x128xf32, #tpu.memory_space<vmem>>, vector<400x128xf32>
    tpu.vector_store %arg5[%swap3A, %swap3A_22], %add3A_21 {strides = array<i32>} : memref<400x128xf32, #tpu.memory_space<vmem>>, vector<400x128xf32>,
    return
  }
  func.func @transform_0(%arg0: i32) -> (i32, i32, i32) {
    %c0_i32 = arith.constant 0 : i32
    %c0_i32_0 = arith.constant 0 : i32
    %c0_i32_1 = arith.constant 0 : i32
    return %c0_i32, %arg0, %c0_i32_0 : i32, i32, i32
  }
  func.func @transform_1(%arg0: i32) -> (i32, i32) {
    %c0_i32 = arith.constant 0 : i32
    %c0_i32_0 = arith.constant 0 : i32
    return %arg0, %c0_i32 : i32, i32
  }
  func.func @transform_2(%arg0: i32) -> (i32, i32) {
    %c0_i32 = arith.constant 0 : i32
    %c0_i32_0 = arith.constant 0 : i32
    %c0_i32_1 = arith.constant 0 : i32
    return %c0_i32, %c0_i32_0 : i32, i32
  }
  func.func @transform_3(%arg0: i32) -> (i32, i32) {
    %c0_i32 = arith.constant 0 : i32
    %c0_i32_0 = arith.constant 0 : i32
    %c0_i32_1 = arith.constant 0 : i32
    return %c0_i32, %c0_i32_0 : i32, i32
  }
  func.func @transform_4(%arg0: i32) -> (i32, i32) {
    %c0_i32 = arith.constant 0 : i32
    %c0_i32_0 = arith.constant 0 : i32
    return %arg0, %c0_i32 : i32, i32
  }
}

</mosaic_0001>

<sc_bundles>
// kernel: kernel.6.cloned.1.call-start
scs
__scs_entry_jumppad:
0x0: {  	(pc) =	sbr.rel $0x88, $3  }
0x1: {  	(tag) =	ssettag $0x0;
	lr =	simm.s32 $0x1  }
0x2: {  	[smem:$0x3F9D] =	sst lr;
	_ =	strace $0xD0000000  }
0x3: {  	_ = 	snop  }
0x4: {  	_ = 	snop  }
0x5: {  	_ = 	snop  }
0x6: {  	_ = 	snop  }
0x7: {  	_ = 	snop  }
__scs_overlays_trampoline_lowered:
0x8: {  	[smem:$0x3FAC] =	sst s0  }
0x9: {  	[smem:$0x3FAD] =	sst s1  }
0xa: {  	[smem:$0x3FAE] =	sst s2  }
0xb: {  	[smem:$0x3FAF] =	sst s3  }
0xc: {  	[smem:$0x3FB0] =	sst s4  }
0xd: {  	[smem:$0x3FB1] =	sst s5  }
0xe: {  	[smem:$0x3FB2] =	sst s6  }
0xf: {  	[smem:$0x3FB3] =	sst s7  }
0x10: {  	[smem:$0x3FB4] =	sst s8  }
0x11: {  	[smem:$0x3FB5] =	sst s9;
	s0 =	simm.s32 @!p0 $0x0  }
0x12: {  	s1 =	sld [smem:$0x3F9B];
	s0 =	simm.s32 @p0 $0x1  }
0x13: {  	[smem:$0x3FB6] =	sst s0;
	s0 =	simm.s32 @!p1 $0x0  }
0x14: {  	s2 =	sld [smem:$0x3F9A];
	s0 =	simm.s32 @p1 $0x1  }
0x15: {  	[smem:$0x3FB7] =	sst s0;
	s0 =	simm.s32 @!p2 $0x0  }
0x16: {  	s3 =	sld [smem:$0x3FDB];
	s0 =	simm.s32 @p2 $0x1  }
0x17: {  	s4 =	simm.s32 $0x1BF5;
	[smem:$0x3FB9] =	sst s0  }
0x18: {  	s0 =	sld [smem:$0x3F9C];
	_ =	swait.ge [sflag:s4], $0x0  }
0x19: {  	s7 =	sld [smem:$0x3F9D]  }
0x1a: {  	s8 =	sadd.s32 $0xFFFFE003, lr  }
0x1b: {  	s9 =	sadd.s32 $0xFFFFFEF7, lr;
	s5 =	simm.s32 $0xFFFFFFFF;
	p2 =	slt.u32 s8, $0xFFFFF086  }
0x1c: {  	p1 =	slt.u32 s9, $0xF7A;
	s5 =	simm.s32 @!p2 $0x0  }
0x1d: {  	s5 =	simm.s32 @p1 $0x1;
	p0 =	seq.s32 s7, s2  }
0x1e: {  	s7 =	smul.u32 @!p0 $0xF7A, s2;
	p2 =	seq.s32 @!p0 s5, $0x0  }
0x1f: {  	s9 =	smul.u32 $0xF7A, s1;
	s8 =	simm.s32 @!p0 $0x1BF5;
	p2 =	por !p2, p0  }
0x20: {  	[sflag:s8] =	ssyncset.s32 @!p0 $0xFFFFF086;
	s6 =	sadd.s32 @!p0 s3, s7;
	s7 =	simm.s32 @!p0 $0x108  }
0x21: {  	s3 =	sadd.s32 s3, s9;
	s6 =	sadd.s32 @!p0 $0x88, s6;
	s7 =	simm.s32 @p2 $0x1082  }
0x22: {  	[simem:s7], [sflag:s8] =	dma.local @!p0 [hbm:s6], $0xF7A  }
0x23: {  	s9 =	sor.u32 $0xD0000000, s2;
	s6 =	simm.s32 $0x108;
	_ =	swait.ge @!p0 [sflag:s8], $0x0  }
0x24: {  	s3 =	sadd.s32 $0x88, s3;
	s6 =	simm.s32 @!p1 $0x1082;
	[sflag:s4] =	ssyncset.s32 $0xFFFFF086  }
0x25: {  	[simem:s6], [sflag:s4] =	dma.local [hbm:s3], $0xF7A  }
0x26: {  	[smem:$0x3F9D] =	sst s1;
	(tag) =	ssettag s2;
	_ =	strace s9  }
0x27: {  	s1 =	sld [smem:$0x3FAD]  }
0x28: {  	s2 =	sld [smem:$0x3FAE]  }
0x29: {  	s4 =	sld [smem:$0x3FB0]  }
0x2a: {  	p0 =	seq.s32 s5, $0x0;
	s5 =	sld [smem:$0x3FB1]  }
0x2b: {  	s6 =	sld [smem:$0x3FB2]  }
0x2c: {  	s7 =	sld [smem:$0x3FB3]  }
0x2d: {  	s3 =	simm.s32 $0x108;
	s8 =	sld [smem:$0x3FB4]  }
0x2e: {  	s3 =	simm.s32 @!p0 $0x1082;
	s9 =	sld [smem:$0x3FB5]  }
0x2f: {  	lr =	sadd.s32 s0, s3;
	s0 =	sld [smem:$0x3FAC]  }
0x30: {  	s3 =	sld [smem:$0x3FAF]  }
0x31: {  	[smem:$0x3FB8] =	sst s10  }
0x32: {  	s10 =	sld [smem:$0x3FB6];
	_ =	sdelay $0x3  }
0x33: {  	p0 =	seq.s32 s10, $0x1;
	s10 =	sld [smem:$0x3FB8];
	_ =	sdelay $0x3  }
0x34: {  	[smem:$0x3FB8] =	sst s10  }
0x35: {  	s10 =	sld [smem:$0x3FB7];
	_ =	sdelay $0x3  }
0x36: {  	p1 =	seq.s32 s10, $0x1;
	s10 =	sld [smem:$0x3FB8];
	_ =	sdelay $0x3  }
0x37: {  	[smem:$0x3FB8] =	sst s10  }
0x38: {  	s10 =	sld [smem:$0x3FB9]  }
0x39: {  	_ = 	snop;
	(pc) =	sbr.ind lr, $3  }
0x3a: {  	_ = 	snop  }
0x3b: {  	_ = 	snop  }
0x3c: {  	p2 =	seq.s32 s10, $0x1;
	s10 =	sld [smem:$0x3FB8]  }
0x3d: {  	_ =	shalt  }
0x3e: {  	_ =	shalt  }
0x3f: {  	_ =	shalt  }
0x40: {  	_ =	shalt  }
0x41: {  	_ =	shalt  }
0x42: {  	_ =	shalt  }
0x43: {  	_ =	shalt  }
0x44: {  	_ =	shalt  }
0x45: {  	_ =	shalt  }
0x46: {  	_ =	shalt  }
0x47: {  	_ =	shalt  }
0x48: {  	_ =	shalt  }
0x49: {  	_ =	shalt  }
0x4a: {  	_ =	shalt  }
0x4b: {  	_ =	shalt  }
0x4c: {  	_ =	shalt  }
0x4d: {  	_ =	shalt  }
0x4e: {  	_ =	shalt  }
0x4f: {  	_ =	shalt  }
0x50: {  	_ =	shalt  }
0x51: {  	_ =	shalt  }
0x52: {  	_ =	shalt  }
0x53: {  	_ =	shalt  }
0x54: {  	_ =	shalt  }
0x55: {  	_ =	shalt  }
0x56: {  	_ =	shalt  }
0x57: {  	_ =	shalt  }
0x58: {  	_ =	shalt  }
0x59: {  	_ =	shalt  }
0x5a: {  	_ =	shalt  }
0x5b: {  	_ =	shalt  }
0x5c: {  	_ =	shalt  }
0x5d: {  	_ =	shalt  }
0x5e: {  	_ =	shalt  }
0x5f: {  	_ =	shalt  }
0x60: {  	_ =	shalt  }
0x61: {  	_ =	shalt  }
0x62: {  	_ =	shalt  }
0x63: {  	_ =	shalt  }
0x64: {  	_ =	shalt  }
0x65: {  	_ =	shalt  }
0x66: {  	_ =	shalt  }
0x67: {  	_ =	shalt  }
0x68: {  	_ =	shalt  }
0x69: {  	_ =	shalt  }
0x6a: {  	_ =	shalt  }
0x6b: {  	_ =	shalt  }
0x6c: {  	_ =	shalt  }
0x6d: {  	_ =	shalt  }
0x6e: {  	_ =	shalt  }
0x6f: {  	_ =	shalt  }
0x70: {  	_ =	shalt  }
0x71: {  	_ =	shalt  }
0x72: {  	_ =	shalt  }
0x73: {  	_ =	shalt  }
0x74: {  	_ =	shalt  }
0x75: {  	_ =	shalt  }
0x76: {  	_ =	shalt  }
0x77: {  	_ =	shalt  }
0x78: {  	_ =	shalt  }
0x79: {  	_ =	shalt  }
0x7a: {  	_ =	shalt  }
0x7b: {  	_ =	shalt  }
0x7c: {  	_ =	shalt  }
0x7d: {  	_ =	shalt  }
0x7e: {  	_ =	shalt  }
0x7f: {  	_ =	shalt  }
0x80: {  	_ =	shalt  }
0x81: {  	_ =	shalt  }
0x82: {  	_ =	shalt  }
0x83: {  	_ =	shalt  }
0x84: {  	_ =	shalt  }
0x85: {  	_ =	shalt  }
0x86: {  	_ =	shalt  }
0x87: {  	_ =	shalt  }
.Lfunc_end0:
.L_simem_size_0:
called_computation_lowered:
.L_overlay_start_0:
0x88: {  	s2 =	sld [smem:$0x3FD9]  }
0x89: {  	s3 =	sld [smem:$0x3FFE];
	_ =	sdelay $0x1  }
0x8a: {  	s1 =	srdreg.scid  }
0x8b: {  	s0 =	sand.u32 $0x1, s1  }
0x8c: {  	s17 =	sshll.u32 s0, $0xA;
	s2 =	sadd.s32 s3, s2  }
0x8d: {  	s2 =	sadd.s32 s2, s17  }
0x8e: {  	[smem:$0x3FC4] =	sst s2  }
0x8f: {  	_ = 	snop  }
0x90: {  	s2 =	sld [smem:$0x3FD0];
	(tm) =	ssettm $0x1  }
0x91: {  	s18 =	sld [smem:$0x3FFB];
	_ =	sdelay $0x3  }
0x92: {  	_ =	strace s18  }
0x93: {  	s3 =	sld [smem:$0x3FFC];
	_ =	sdelay $0x3  }
0x94: {  	_ =	strace s3  }
0x95: {  	s3 =	sld [smem:$0x3FFD];
	_ =	sdelay $0x3  }
0x96: {  	_ =	strace s3  }
0x97: {  	_ =	strace $0x8FFFFFFF  }
0x98: {  	s19 =	sld [smem:$0x3FDB];
	_ =	sdelay $0x1  }
0x99: {  	s4 =	simm.s32 $_scs_section_size  }
0x9a: {  	s5 =	simm.s32 $_size__tile_overlayer_lowered;
	s6 =	simm.s32 $_tile_overlayer_lowered  }
0x9b: {  	s22 =	simm.s32 $0x1BFF;
	s21 =	sshll.u32 s6, $0x1;
	s3 =	sadd.s32 s4, s19  }
0x9c: {  	s7 =	simm.s32 $0x0;
	s20 =	sshll.u32 s5, $0x1;
	s5 =	sadd.s32 s21, s3  }
0x9d: {  	[timem:s7], [sflag:s22] =	dma.local [hbm:s5], s20  }
0x9e: {  	_ =	swait.ge [sflag:s22], s20  }
0x9f: {  	s4 =	ssub.s32 $0x0, s20;
	[sflag:s22] =	ssyncset.done $0x0  }
0xa0: {  	[sflag:s22] =	ssyncadd.s32 s4;
	_ =	sdelay $0x1  }
0xa1: {  	s23 =	simm.s32 $0x1B8B  }
0xa2: {  	_ =	swait.ge [sflag:s23], $0x1  }
0xa3: {  	[sflag:s23] =	ssyncset.done $0x0  }
0xa4: {  	s25 =	simm.s32 $0x1B8E;
	s24 =	sld [smem:$0x3FFE];
	[sflag:s23] =	ssyncadd.s32 $0xFFFFFFFF  }
0xa5: {  	s26 =	simm.s32 $execute0_lowered;
	[smem:$0x3FD2] =	sst s25  }
0xa6: {  	s5 =	sshll.u32 s26, $0x1;
	_ =	strace $0x80000046;
	[dreg:$0x1] =	wrdreg $0xFFFFFFFF  }
0xa7: {  	s28 =	simm.s32 $_size_execute0_lowered;
	s3 =	sadd.s32 s3, s5;
	[dreg:$0x0] =	wrdreg $0x0  }
0xa8: {  	s5 =	sshll.u32 s28, $0x1;
	[dreg:$0x2] =	wrdreg s3  }
0xa9: {  	[dreg:$0x3] =	wrdreg s5  }
0xaa: {  	[dreg:$0x4] =	wrdreg $0xC0  }
0xab: {  	_ =	task [dreg:s7], $0x5FFFF  }
0xac: {  	[dreg:$0x1] =	wrdreg $0xFFFFFFFF  }
0xad: {  	[dreg:$0x0] =	wrdreg $0x60  }
0xae: {  	[dreg:$0x2] =	wrdreg s2  }
0xaf: {  	[dreg:$0x3] =	wrdreg s24  }
0xb0: {  	[dreg:$0x4] =	wrdreg $0x0  }
0xb1: {  	[dreg:$0x5] =	wrdreg $0x9  }
0xb2: {  	_ =	task.clear_ibuf [dreg:s7], $0x6FFFF;
	_ =	strace $0x90000046  }
0xb3: {  	s29 =	simm.s32 $0x9;
	_ =	strace $0x80000048  }
0xb4: {  	_ =	swait.ge [sflag:s29], $0x1  }
0xb5: {  	[sflag:s29] =	ssyncadd.s32 $0xFFFFFFFF  }
0xb6: {  	_ =	strace $0x90000048  }
0xb7: {  	_ =	sfence  }
0xb8: {  	s30 =	sld [smem:$0x0];
	_ =	sdelay $0x2  }
0xb9: {  	s31 =	sshll.u32 s1, $0xD;
	s1 =	sshrl.u32 s1, $0x2  }
0xba: {  	s3 =	sand.u32 $0x4000, s31;
	s1 =	sadd.s32 s1, s30  }
0xbb: {  	s0 =	sor.u32 s3, s0;
	s1 =	sshll.u32 s1, $0x11  }
0xbc: {  	s0 =	sor.u32 s1, s0  }
0xbd: {  	s0 =	sadd.s32 $0x8F2B, s0  }
0xbe: {  	[sflag:s0] =	ssyncadd.remote.s32 $0x1  }
0xbf: {  	_ =	sfence.sel $0xFFFF  }
0xc0: {  	[dreg:$0x0] =	wrdreg $0xFFFFFFFF;
	(pc) =	sbr.abs _section_cstart, $3  }
0xc1: {  	[dreg:$0x1] =	wrdreg $0xFFFFFFFF  }
0xc2: {  	_ =	task.clear_ibuf [dreg:s7], $0x2FFFF;
	_ =	strace $0x9FFFFFFF  }
0xc3: {  	(tm) =	ssettm $0x7FFFFFFF  }
tec
execute0_lowered:
.L_overlay_start_1:
0x0: {  	(tag) =	ssettag $0x1  }
0x1: {  	s3 =	rddreg [dreg:$0x0]  }
0x2: {  	s4 =	rddreg [dreg:$0x1]  }
0x3: {  	s1 =	rddreg [dreg:$0x2];
	s5 =	srdreg.scid  }
0x4: {  	s0 =	rddreg [dreg:$0x3];
	s2 =	simm.s32 $0x0;
	s10 =	stileid.u32  }
0x5: {  	s12 =	simm.s32 $0x0;
	s5 =	sand.u32 $0x1, s5;
	[smem:$0x7FF] =	sst s2  }
0x6: {  	s8 =	smul.u32 $0xFA0, s10;
	p1 =	sgt.u32 s10, $0x9;
	p0 =	sne.s32 s10, $0x0  }
0x7: {  	s6 =	sshll.u32 s5, $0x4;
	s5 =	ssub.s32 $0x2, s5;
	_ =	strace $0x80000047  }
0x8: {  	s11 =	sshrl.u32 @!p0 s1, $0x3;
	s7 =	sor.u32 s10, s6;
	s9 =	sshrl.u32 s5, $0x1  }
0x9: {  	s6 =	sadd.s32 s6, s4;
	s31 =	sshrl.u32 s8, $0x2;
	s8 =	simm.s32 $0x1  }
0xa: {  	s10 =	simm.s32 $0x2E78;
	s7 =	smul.u32 $0x580, s7;
	s9 =	ssub.s32 s5, s9  }
0xb: {  	vm0 =	vcmask $0x3300;
	v0 =	vimm.f32 $0.0e+00;
	s4 =	sadd.s32 s31, s1;
	s5 =	sadd.s32 $0xC600, s6;
	s6 =	smax.u32 s9, $0x1  }
0xc: {  	v1 =	vimm.f32 $1.000000000e+00;
	v2 =	vsel vm0, $0x3F800000, v0;
	s9 =	simm.s32 $0x80;
	s3 =	sadd.s32 s3, s7;
	s7 =	simm.s32 $0x278  }
.LBB2_1:
0xd: {  	[tilespmem:s7], [sflag:$0x1] =	stream.linear.gather [hbm4b:s3+s2], $0x2880, $0x38;
	[tilespmem:$0x32F8] =	vst v63  }
0xe: {  	_ =	swait.ge [sflag:s8], $0x2880  }
0xf: {  	[sflag:s8] =	ssyncset.done $0x0  }
0x10: {  	[sflag:s8] =	ssyncadd.s32 $0xFFFFD780  }
0x11: {  	[tilespmem:$0x2E78] =	vst v1  }
0x12: {  	[tilespmem:$0x2E88] =	vst v1  }
0x13: {  	[tilespmem:$0x2E98] =	vst v1  }
0x14: {  	[tilespmem:$0x2EA8] =	vst v1  }
0x15: {  	[tilespmem:$0x2EB8] =	vst v1  }
0x16: {  	[tilespmem:$0x2EC8] =	vst v1  }
0x17: {  	[tilespmem:$0x2ED8] =	vst v1  }
0x18: {  	[tilespmem:$0x2EE8] =	vst v2  }
0x19: {  	[tilespmem:$0x2EF8] =	vst v0  }
0x1a: {  	[tilespmem:$0x2F08] =	vst v0  }
0x1b: {  	[tilespmem:$0x2F18] =	vst v0  }
0x1c: {  	[tilespmem:$0x2F28] =	vst v0  }
0x1d: {  	[tilespmem:$0x2F38] =	vst v0  }
0x1e: {  	[tilespmem:$0x2F48] =	vst v0  }
0x1f: {  	[tilespmem:$0x2F58] =	vst v0  }
0x20: {  	[tilespmem:$0x2F68] =	vst v0  }
0x21: {  	[tilespmem:$0x2F78] =	vst v0  }
0x22: {  	[tilespmem:$0x2F88] =	vst v0  }
0x23: {  	[tilespmem:$0x2F98] =	vst v0  }
0x24: {  	[tilespmem:$0x2FA8] =	vst v0  }
0x25: {  	[tilespmem:$0x2FB8] =	vst v0  }
0x26: {  	[tilespmem:$0x2FC8] =	vst v0  }
0x27: {  	[tilespmem:$0x2FD8] =	vst v0  }
0x28: {  	[tilespmem:$0x2FE8] =	vst v0  }
0x29: {  	[tilespmem:$0x2FF8] =	vst v0  }
0x2a: {  	[tilespmem:$0x3008] =	vst v0  }
0x2b: {  	[tilespmem:$0x3018] =	vst v0  }
0x2c: {  	[tilespmem:$0x3028] =	vst v0  }
0x2d: {  	[tilespmem:$0x3038] =	vst v0  }
0x2e: {  	[tilespmem:$0x3048] =	vst v0  }
0x2f: {  	[tilespmem:$0x3058] =	vst v0  }
0x30: {  	[tilespmem:$0x3068] =	vst v0  }
0x31: {  	[tilespmem:$0x3078] =	vst v0  }
0x32: {  	[tilespmem:$0x3088] =	vst v0  }
0x33: {  	[tilespmem:$0x3098] =	vst v0  }
0x34: {  	[tilespmem:$0x30A8] =	vst v0  }
0x35: {  	[tilespmem:$0x30B8] =	vst v0  }
0x36: {  	[tilespmem:$0x30C8] =	vst v0  }
0x37: {  	[tilespmem:$0x30D8] =	vst v0  }
0x38: {  	[tilespmem:$0x30E8] =	vst v0  }
0x39: {  	[tilespmem:$0x30F8] =	vst v0  }
0x3a: {  	[tilespmem:$0x3108] =	vst v0  }
0x3b: {  	[tilespmem:$0x3118] =	vst v0  }
0x3c: {  	[tilespmem:$0x3128] =	vst v0  }
0x3d: {  	[tilespmem:$0x3138] =	vst v0  }
0x3e: {  	[tilespmem:$0x3148] =	vst v0  }
0x3f: {  	[tilespmem:$0x3158] =	vst v0  }
0x40: {  	[tilespmem:$0x3168] =	vst v0  }
0x41: {  	[tilespmem:$0x3178] =	vst v0  }
0x42: {  	[tilespmem:$0x3188] =	vst v0  }
0x43: {  	[tilespmem:$0x3198] =	vst v0  }
0x44: {  	[tilespmem:$0x31A8] =	vst v0  }
0x45: {  	[tilespmem:$0x31B8] =	vst v0  }
0x46: {  	[tilespmem:$0x31C8] =	vst v0  }
0x47: {  	[tilespmem:$0x31D8] =	vst v0  }
0x48: {  	[tilespmem:$0x31E8] =	vst v0  }
0x49: {  	[tilespmem:$0x31F8] =	vst v0  }
0x4a: {  	[tilespmem:$0x3208] =	vst v0  }
0x4b: {  	[tilespmem:$0x3218] =	vst v0  }
0x4c: {  	[tilespmem:$0x3228] =	vst v0  }
0x4d: {  	[tilespmem:$0x3238] =	vst v0  }
0x4e: {  	[tilespmem:$0x3248] =	vst v0  }
0x4f: {  	[tilespmem:$0x3258] =	vst v0  }
0x50: {  	[tilespmem:$0x3268] =	vst v0  }
0x51: {  	[tilespmem:$0x3278] =	vst v0  }
0x52: {  	[tilespmem:$0x3288] =	vst v0  }
0x53: {  	[tilespmem:$0x3298] =	vst v0  }
0x54: {  	[tilespmem:$0x32A8] =	vst v0  }
0x55: {  	[tilespmem:$0x32B8] =	vst v0  }
0x56: {  	[tilespmem:$0x32C8] =	vst v0  }
0x57: {  	[tilespmem:$0x32D8] =	vst v0  }
0x58: {  	s13 =	simm.s32 @!p1 $0x2EF8;
	[tilespmem:$0x32E8] =	vst v0  }
0x59: {  	[spmem:s4] =	stream.linear.scatter @!p1 [tilespmem:s13], [sflag:$0x1], $0x3E8, $0x38;
	[tilespmem:$0x32F8] =	vst v63  }
0x5a: {  	s13 =	simm.s32 @!p1 $0x1  }
0x5b: {  	_ =	swait.ge @!p1 [sflag:s13], $0x3E8  }
0x5c: {  	[sflag:s13] =	ssyncset.done @!p1 $0x0  }
0x5d: {  	[sflag:s13] =	ssyncadd.s32 @!p1 $0xFFFFFC18  }
0x5e: {  	s31 =	simm.s32 $0x278;
	[bflag:$0x0] =	sbarrier.arrive $0xFFFF  }
0x5f: {  	[spmem:s1] =	stream.indirect.scatter.add.f32 [tilespmem:s10], [sflag:$0x1], $0x1, s31, s9, $0xb8;
	[tilespmem:$0x32F8] =	vst v63  }
0x60: {  	s13 =	simm.s32 $0x200;
	_ =	swait.ge [sflag:s8], $0x80  }
.LBB2_2:
0x61: {  	s14 =	sshra.s32 s13, $0x2;
	[sflag:s8] =	ssyncset.done $0x0;
	p2 =	sne.s32 s13, $0x9E00  }
.Ltmp0:
0x62: {  	s14 =	sadd.s32 $0x278, s14;
	[sflag:s8] =	ssyncadd.s32 $0xFFFFFF80;
	(pc) =	sbr.rel @p2 .LBB2_2-.Ltmp0, $3  }
0x63: {  	[spmem:s1] =	stream.indirect.scatter.add.f32 [tilespmem:s10], [sflag:$0x1], $0x1, s14, s9, $0xb8;
	[tilespmem:$0x32F8] =	vst v63  }
0x64: {  	s13 =	sadd.s32 $0x200, s13;
	_ =	sdelay $0x1  }
0x65: {  	_ =	swait.ge [sflag:s8], $0x80  }
0x66: {  	[sflag:s8] =	ssyncset.done $0x0  }
0x67: {  	s13 =	simm.s32 @!p0 $0x1;
	s14 =	simm.s32 @!p0 $0x20;
	s12 =	sadd.s32 $0x1, s12  }
0x68: {  	s15 =	simm.s32 @!p0 $0x10;
	[sflag:s8] =	ssyncadd.s32 $0xFFFFFF80;
	p2 =	sne.s32 s12, s6  }
.Ltmp1:
0x69: {  	s16 =	simm.s32 @!p0 $0x1C01;
	[bflag:$0x0] =	sbarrier.arrive $0xFFFF;
	(pc) =	sbr.rel @p2 .LBB2_1-.Ltmp1, $4  }
0x6a: {  	[hbm:s5@s14], [sflag:s16] =	dma.strided @!p0 [spmem:s11@s15], $0x4F0, s13, $0x10   }
0x6b: {  	_ =	swait.ge @!p0 [sflag:s13], $0x4F0  }
0x6c: {  	[sflag:s13] =	ssyncset.done @!p0 $0x0  }
0x6d: {  	[sflag:s13] =	ssyncadd.s32 @!p0 $0xFFFFFB10  }
0x6e: {  	_ =	sfence.sel $0x180000  }
0x6f: {  	[bflag:$0x0] =	sbarrier.arrive $0xFFFF  }
0x70: {  	_ =	strace $0x90000047  }
0x71: {  	s0 =	sadd.s32 @!p0 $0x100000, s0;
	[bflag:$0x2] =	sbarrier.arrive $0xFFFF  }
0x72: {  	[sflag:s0] =	ssyncadd.tile.s32 @!p0 $0x1;
	_ =	shalt  }
.Lfunc_end2:
_tile_overlayer_lowered:
.L_overlay_start_2:
0x73: {  	(tag) =	ssettag $0x2  }
0x74: {  	s0 =	rddreg [dreg:$0x0];
	s2 =	stileid.u32  }
0x75: {  	s1 =	rddreg [dreg:$0x1];
	p0 =	sne.s32 s2, $0x0  }
0x76: {  	s3 =	rddreg [dreg:$0x2];
	[bflag:$0x3] =	sbarrier.arrive $0xFFFF;
	s2 =	simm.s32 @!p0 $0x1C01  }
0x77: {  	[timem:s3], [sflag:s2] =	dma.local @!p0 [hbm:s0], s1  }
0x78: {  	s0 =	simm.s32 @!p0 $0x1  }
0x79: {  	_ =	swait.ge @!p0 [sflag:s0], s1  }
0x7a: {  	s1 =	ssub.s32 @!p0 $0x0, s1;
	[sflag:s0] =	ssyncset.done @!p0 $0x0  }
0x7b: {  	[sflag:s0] =	ssyncadd.s32 @!p0 s1  }
0x7c: {  	[bflag:$0x3] =	sbarrier.arrive $0xFFFF  }
0x7d: {  	_ =	shalt  }

// kernel: kernel.9.cloned.1.call-start
scs
__scs_entry_jumppad:
0x0: {  	(pc) =	sbr.rel $0x88, $3  }
0x1: {  	(tag) =	ssettag $0x0;
	lr =	simm.s32 $0x1  }
0x2: {  	[smem:$0x3F9D] =	sst lr;
	_ =	strace $0xD0000000  }
0x3: {  	_ = 	snop  }
0x4: {  	_ = 	snop  }
0x5: {  	_ = 	snop  }
0x6: {  	_ = 	snop  }
0x7: {  	_ = 	snop  }
__scs_overlays_trampoline_lowered:
0x8: {  	[smem:$0x3FAC] =	sst s0  }
0x9: {  	[smem:$0x3FAD] =	sst s1  }
0xa: {  	[smem:$0x3FAE] =	sst s2  }
0xb: {  	[smem:$0x3FAF] =	sst s3  }
0xc: {  	[smem:$0x3FB0] =	sst s4  }
0xd: {  	[smem:$0x3FB1] =	sst s5  }
0xe: {  	[smem:$0x3FB2] =	sst s6  }
0xf: {  	[smem:$0x3FB3] =	sst s7  }
0x10: {  	[smem:$0x3FB4] =	sst s8  }
0x11: {  	[smem:$0x3FB5] =	sst s9;
	s0 =	simm.s32 @!p0 $0x0  }
0x12: {  	s1 =	sld [smem:$0x3F9B];
	s0 =	simm.s32 @p0 $0x1  }
0x13: {  	[smem:$0x3FB6] =	sst s0;
	s0 =	simm.s32 @!p1 $0x0  }
0x14: {  	s2 =	sld [smem:$0x3F9A];
	s0 =	simm.s32 @p1 $0x1  }
0x15: {  	[smem:$0x3FB7] =	sst s0;
	s0 =	simm.s32 @!p2 $0x0  }
0x16: {  	s3 =	sld [smem:$0x3FDB];
	s0 =	simm.s32 @p2 $0x1  }
0x17: {  	s4 =	simm.s32 $0x1BF5;
	[smem:$0x3FB9] =	sst s0  }
0x18: {  	s0 =	sld [smem:$0x3F9C];
	_ =	swait.ge [sflag:s4], $0x0  }
0x19: {  	s7 =	sld [smem:$0x3F9D]  }
0x1a: {  	s8 =	sadd.s32 $0xFFFFE003, lr  }
0x1b: {  	s9 =	sadd.s32 $0xFFFFFEF7, lr;
	s5 =	simm.s32 $0xFFFFFFFF;
	p2 =	slt.u32 s8, $0xFFFFF086  }
0x1c: {  	p1 =	slt.u32 s9, $0xF7A;
	s5 =	simm.s32 @!p2 $0x0  }
0x1d: {  	s5 =	simm.s32 @p1 $0x1;
	p0 =	seq.s32 s7, s2  }
0x1e: {  	s7 =	smul.u32 @!p0 $0xF7A, s2;
	p2 =	seq.s32 @!p0 s5, $0x0  }
0x1f: {  	s9 =	smul.u32 $0xF7A, s1;
	s8 =	simm.s32 @!p0 $0x1BF5;
	p2 =	por !p2, p0  }
0x20: {  	[sflag:s8] =	ssyncset.s32 @!p0 $0xFFFFF086;
	s6 =	sadd.s32 @!p0 s3, s7;
	s7 =	simm.s32 @!p0 $0x108  }
0x21: {  	s3 =	sadd.s32 s3, s9;
	s6 =	sadd.s32 @!p0 $0x88, s6;
	s7 =	simm.s32 @p2 $0x1082  }
0x22: {  	[simem:s7], [sflag:s8] =	dma.local @!p0 [hbm:s6], $0xF7A  }
0x23: {  	s9 =	sor.u32 $0xD0000000, s2;
	s6 =	simm.s32 $0x108;
	_ =	swait.ge @!p0 [sflag:s8], $0x0  }
0x24: {  	s3 =	sadd.s32 $0x88, s3;
	s6 =	simm.s32 @!p1 $0x1082;
	[sflag:s4] =	ssyncset.s32 $0xFFFFF086  }
0x25: {  	[simem:s6], [sflag:s4] =	dma.local [hbm:s3], $0xF7A  }
0x26: {  	[smem:$0x3F9D] =	sst s1;
	(tag) =	ssettag s2;
	_ =	strace s9  }
0x27: {  	s1 =	sld [smem:$0x3FAD]  }
0x28: {  	s2 =	sld [smem:$0x3FAE]  }
0x29: {  	s4 =	sld [smem:$0x3FB0]  }
0x2a: {  	p0 =	seq.s32 s5, $0x0;
	s5 =	sld [smem:$0x3FB1]  }
0x2b: {  	s6 =	sld [smem:$0x3FB2]  }
0x2c: {  	s7 =	sld [smem:$0x3FB3]  }
0x2d: {  	s3 =	simm.s32 $0x108;
	s8 =	sld [smem:$0x3FB4]  }
0x2e: {  	s3 =	simm.s32 @!p0 $0x1082;
	s9 =	sld [smem:$0x3FB5]  }
0x2f: {  	lr =	sadd.s32 s0, s3;
	s0 =	sld [smem:$0x3FAC]  }
0x30: {  	s3 =	sld [smem:$0x3FAF]  }
0x31: {  	[smem:$0x3FB8] =	sst s10  }
0x32: {  	s10 =	sld [smem:$0x3FB6];
	_ =	sdelay $0x3  }
0x33: {  	p0 =	seq.s32 s10, $0x1;
	s10 =	sld [smem:$0x3FB8];
	_ =	sdelay $0x3  }
0x34: {  	[smem:$0x3FB8] =	sst s10  }
0x35: {  	s10 =	sld [smem:$0x3FB7];
	_ =	sdelay $0x3  }
0x36: {  	p1 =	seq.s32 s10, $0x1;
	s10 =	sld [smem:$0x3FB8];
	_ =	sdelay $0x3  }
0x37: {  	[smem:$0x3FB8] =	sst s10  }
0x38: {  	s10 =	sld [smem:$0x3FB9]  }
0x39: {  	_ = 	snop;
	(pc) =	sbr.ind lr, $3  }
0x3a: {  	_ = 	snop  }
0x3b: {  	_ = 	snop  }
0x3c: {  	p2 =	seq.s32 s10, $0x1;
	s10 =	sld [smem:$0x3FB8]  }
0x3d: {  	_ =	shalt  }
0x3e: {  	_ =	shalt  }
0x3f: {  	_ =	shalt  }
0x40: {  	_ =	shalt  }
0x41: {  	_ =	shalt  }
0x42: {  	_ =	shalt  }
0x43: {  	_ =	shalt  }
0x44: {  	_ =	shalt  }
0x45: {  	_ =	shalt  }
0x46: {  	_ =	shalt  }
0x47: {  	_ =	shalt  }
0x48: {  	_ =	shalt  }
0x49: {  	_ =	shalt  }
0x4a: {  	_ =	shalt  }
0x4b: {  	_ =	shalt  }
0x4c: {  	_ =	shalt  }
0x4d: {  	_ =	shalt  }
0x4e: {  	_ =	shalt  }
0x4f: {  	_ =	shalt  }
0x50: {  	_ =	shalt  }
0x51: {  	_ =	shalt  }
0x52: {  	_ =	shalt  }
0x53: {  	_ =	shalt  }
0x54: {  	_ =	shalt  }
0x55: {  	_ =	shalt  }
0x56: {  	_ =	shalt  }
0x57: {  	_ =	shalt  }
0x58: {  	_ =	shalt  }
0x59: {  	_ =	shalt  }
0x5a: {  	_ =	shalt  }
0x5b: {  	_ =	shalt  }
0x5c: {  	_ =	shalt  }
0x5d: {  	_ =	shalt  }
0x5e: {  	_ =	shalt  }
0x5f: {  	_ =	shalt  }
0x60: {  	_ =	shalt  }
0x61: {  	_ =	shalt  }
0x62: {  	_ =	shalt  }
0x63: {  	_ =	shalt  }
0x64: {  	_ =	shalt  }
0x65: {  	_ =	shalt  }
0x66: {  	_ =	shalt  }
0x67: {  	_ =	shalt  }
0x68: {  	_ =	shalt  }
0x69: {  	_ =	shalt  }
0x6a: {  	_ =	shalt  }
0x6b: {  	_ =	shalt  }
0x6c: {  	_ =	shalt  }
0x6d: {  	_ =	shalt  }
0x6e: {  	_ =	shalt  }
0x6f: {  	_ =	shalt  }
0x70: {  	_ =	shalt  }
0x71: {  	_ =	shalt  }
0x72: {  	_ =	shalt  }
0x73: {  	_ =	shalt  }
0x74: {  	_ =	shalt  }
0x75: {  	_ =	shalt  }
0x76: {  	_ =	shalt  }
0x77: {  	_ =	shalt  }
0x78: {  	_ =	shalt  }
0x79: {  	_ =	shalt  }
0x7a: {  	_ =	shalt  }
0x7b: {  	_ =	shalt  }
0x7c: {  	_ =	shalt  }
0x7d: {  	_ =	shalt  }
0x7e: {  	_ =	shalt  }
0x7f: {  	_ =	shalt  }
0x80: {  	_ =	shalt  }
0x81: {  	_ =	shalt  }
0x82: {  	_ =	shalt  }
0x83: {  	_ =	shalt  }
0x84: {  	_ =	shalt  }
0x85: {  	_ =	shalt  }
0x86: {  	_ =	shalt  }
0x87: {  	_ =	shalt  }
.Lfunc_end0:
.L_simem_size_0:
called_computation.1_lowered:
.L_overlay_start_0:
0x88: {  	s2 =	sld [smem:$0x3FD9]  }
0x89: {  	s3 =	sld [smem:$0x3FFE];
	_ =	sdelay $0x1  }
0x8a: {  	s1 =	srdreg.scid  }
0x8b: {  	s0 =	sand.u32 $0x1, s1  }
0x8c: {  	s17 =	sshll.u32 s0, $0xA;
	s2 =	sadd.s32 s3, s2  }
0x8d: {  	s2 =	sadd.s32 s2, s17  }
0x8e: {  	[smem:$0x3FC4] =	sst s2  }
0x8f: {  	_ = 	snop  }
0x90: {  	s2 =	sld [smem:$0x3FD0];
	(tm) =	ssettm $0x1  }
0x91: {  	s18 =	sld [smem:$0x3FFB];
	_ =	sdelay $0x3  }
0x92: {  	_ =	strace s18  }
0x93: {  	s3 =	sld [smem:$0x3FFC];
	_ =	sdelay $0x3  }
0x94: {  	_ =	strace s3  }
0x95: {  	s3 =	sld [smem:$0x3FFD];
	_ =	sdelay $0x3  }
0x96: {  	_ =	strace s3  }
0x97: {  	_ =	strace $0x8FFFFFFF  }
0x98: {  	s19 =	sld [smem:$0x3FDB];
	_ =	sdelay $0x1  }
0x99: {  	s4 =	simm.s32 $_scs_section_size  }
0x9a: {  	s5 =	simm.s32 $_size__tile_overlayer_lowered;
	s6 =	simm.s32 $_tile_overlayer_lowered  }
0x9b: {  	s22 =	simm.s32 $0x1BFF;
	s21 =	sshll.u32 s6, $0x1;
	s3 =	sadd.s32 s4, s19  }
0x9c: {  	s7 =	simm.s32 $0x0;
	s20 =	sshll.u32 s5, $0x1;
	s5 =	sadd.s32 s21, s3  }
0x9d: {  	[timem:s7], [sflag:s22] =	dma.local [hbm:s5], s20  }
0x9e: {  	_ =	swait.ge [sflag:s22], s20  }
0x9f: {  	s4 =	ssub.s32 $0x0, s20;
	[sflag:s22] =	ssyncset.done $0x0  }
0xa0: {  	[sflag:s22] =	ssyncadd.s32 s4;
	_ =	sdelay $0x1  }
0xa1: {  	s23 =	simm.s32 $0x1B8B  }
0xa2: {  	_ =	swait.ge [sflag:s23], $0x1  }
0xa3: {  	[sflag:s23] =	ssyncset.done $0x0  }
0xa4: {  	s25 =	simm.s32 $0x1B8E;
	s24 =	sld [smem:$0x3FFE];
	[sflag:s23] =	ssyncadd.s32 $0xFFFFFFFF  }
0xa5: {  	s26 =	simm.s32 $execute0_lowered;
	[smem:$0x3FD2] =	sst s25  }
0xa6: {  	s5 =	sshll.u32 s26, $0x1;
	_ =	strace $0x80000049;
	[dreg:$0x1] =	wrdreg $0xFFFFFFFF  }
0xa7: {  	s28 =	simm.s32 $_size_execute0_lowered;
	s3 =	sadd.s32 s3, s5;
	[dreg:$0x0] =	wrdreg $0x0  }
0xa8: {  	s5 =	sshll.u32 s28, $0x1;
	[dreg:$0x2] =	wrdreg s3  }
0xa9: {  	[dreg:$0x3] =	wrdreg s5  }
0xaa: {  	[dreg:$0x4] =	wrdreg $0xC0  }
0xab: {  	_ =	task [dreg:s7], $0x5FFFF  }
0xac: {  	[dreg:$0x1] =	wrdreg $0xFFFFFFFF  }
0xad: {  	[dreg:$0x0] =	wrdreg $0x60  }
0xae: {  	[dreg:$0x2] =	wrdreg s24  }
0xaf: {  	[dreg:$0x3] =	wrdreg s2  }
0xb0: {  	[dreg:$0x4] =	wrdreg $0x0  }
0xb1: {  	[dreg:$0x5] =	wrdreg $0x9  }
0xb2: {  	_ =	task.clear_ibuf [dreg:s7], $0x6FFFF;
	_ =	strace $0x90000049  }
0xb3: {  	s29 =	simm.s32 $0x9;
	_ =	strace $0x8000004B  }
0xb4: {  	_ =	swait.ge [sflag:s29], $0x1  }
0xb5: {  	[sflag:s29] =	ssyncadd.s32 $0xFFFFFFFF  }
0xb6: {  	_ =	strace $0x9000004B  }
0xb7: {  	_ =	sfence  }
0xb8: {  	s30 =	sld [smem:$0x0];
	_ =	sdelay $0x2  }
0xb9: {  	s31 =	sshll.u32 s1, $0xD;
	s1 =	sshrl.u32 s1, $0x2  }
0xba: {  	s3 =	sand.u32 $0x4000, s31;
	s1 =	sadd.s32 s1, s30  }
0xbb: {  	s0 =	sor.u32 s3, s0;
	s1 =	sshll.u32 s1, $0x11  }
0xbc: {  	s0 =	sor.u32 s1, s0  }
0xbd: {  	s0 =	sadd.s32 $0x8F2B, s0  }
0xbe: {  	[sflag:s0] =	ssyncadd.remote.s32 $0x1  }
0xbf: {  	_ =	sfence.sel $0xFFFF  }
0xc0: {  	[dreg:$0x0] =	wrdreg $0xFFFFFFFF;
	(pc) =	sbr.abs _section_cstart, $3  }
0xc1: {  	[dreg:$0x1] =	wrdreg $0xFFFFFFFF  }
0xc2: {  	_ =	task.clear_ibuf [dreg:s7], $0x2FFFF;
	_ =	strace $0x9FFFFFFF  }
0xc3: {  	(tm) =	ssettm $0x7FFFFFFF  }
tec
execute0_lowered:
.L_overlay_start_1:
0x0: {  	(tag) =	ssettag $0x1  }
0x1: {  	s0 =	rddreg [dreg:$0x0]  }
0x2: {  	s1 =	rddreg [dreg:$0x1]  }
0x3: {  	s2 =	rddreg [dreg:$0x2]  }
0x4: {  	s3 =	simm.s32 $0x0;
	s4 =	srdreg.scid;
	s13 =	stileid.u32  }
0x5: {  	s28 =	simm.s32 $0x13A80;
	s29 =	simm.s32 $0x13900;
	s30 =	simm.s32 $0x13B00  }
0x6: {  	s31 =	simm.s32 $0x80;
	[smem:$0x7FF] =	sst s3;
	s5 =	sadd.s32 $0xC600, s0  }
0x7: {  	s6 =	sadd.s32 $0x1600, s0;
	s4 =	sand.u32 $0x1, s4;
	s7 =	smul.u32 $0x4E000, s13  }
0x8: {  	s0 =	sadd.s32 $0x34600, s0;
	s14 =	sadd.s32 $0x138000, s2;
	s12 =	smul.u32 $0x13800, s13  }
0x9: {  	p0 =	sne.s32 s13, $0xF;
	_ =	strace $0x8000004A;
	s8 =	ssub.s32 $0x2, s4  }
0xa: {  	s9 =	sshll.u32 s4, $0x4;
	s4 =	smul.u32 $0x138800, s4;
	s10 =	sshrl.u32 s8, $0x1  }
0xb: {  	s9 =	sor.u32 s13, s9;
	s7 =	sshrl.u32 s7, $0x2;
	s13 =	simm.s32 $0x0  }
0xc: {  	s10 =	ssub.s32 s8, s10;
	s7 =	sadd.s32 s7, s2;
	s8 =	smul.u32 $0x2C00, s9  }
0xd: {  	s25 =	sadd.s32 s12, s4;
	s4 =	sshrl.u32 s4, $0x3;
	s16 =	sadd.s32 $0x3400, s7  }
0xe: {  	s12 =	simm.s32 $0x1BC80;
	s17 =	sadd.s32 $0x6800, s7;
	[dreg:$0x4] =	wrdreg s16  }
0xf: {  	s18 =	sadd.s32 $0x9C00, s7;
	s19 =	sadd.s32 $0xD000, s7;
	[dreg:$0x5] =	wrdreg s17  }
0x10: {  	s20 =	sadd.s32 $0x10400, s7;
	s26 =	sshrl.u32 s25, $0x3;
	[dreg:$0x6] =	wrdreg s18  }
0x11: {  	s4 =	sadd.s32 s0, s4;
	[dreg:$0x7] =	wrdreg s19;
	s21 =	sshrl.u32 s8, $0x3  }
0x12: {  	s25 =	simm.s32 $0x7;
	[dreg:$0x8] =	wrdreg s20;
	s11 =	sadd.s32 s6, s21  }
0x13: {  	s22 =	sadd.s32 s1, s21;
	s23 =	sor.u32 $0x10, s21;
	s9 =	sor.u32 $0x20, s21  }
0x14: {  	s21 =	sadd.s32 s0, s26;
	s26 =	simm.s32 $0x13880;
	[dreg:$0x9] =	wrdreg s11  }
0x15: {  	s0 =	simm.s32 $0x17C80;
	[dreg:$0xa] =	wrdreg s22;
	s15 =	sadd.s32 s6, s23  }
.Ltmp0:
0x16: {  	s11 =	sadd.s32 s1, s23;
	[dreg:$0xb] =	wrdreg s15;
	(pc) =	sbr.rel .LBB2_1-.Ltmp0, $4  }
0x17: {  	s24 =	sadd.s32 s6, s9;
	s9 =	sadd.s32 s1, s9;
	[dreg:$0xc] =	wrdreg s11  }
0x18: {  	s22 =	sadd.s32 $0x27000, s4;
	s23 =	smax.u32 s10, $0x1;
	[dreg:$0xd] =	wrdreg s24  }
0x19: {  	s4 =	simm.s32 $0x13980;
	s10 =	simm.s32 $0x1;
	[dreg:$0xe] =	wrdreg s9  }
0x1a: {  	v0 =	vimm.f32 $0.0e+00;
	s24 =	simm.s32 $0x13C80;
	s9 =	simm.s32 $0x13B80;
	s11 =	simm.s32 $0x6  }
.LBB2_6:
0x1b: {  	s15 =	stileid.u32  }
0x1c: {  	s15 =	sshll.u32 s15, $0x6  }
0x1d: {  	[bflag:$0x0] =	sbarrier.arrive $0xFFFF;
	s16 =	sshrl.u32 s7, $0x3;
	s15 =	sor.u32 $0x1C07, s15  }
0x1e: {  	[hbm:s21], [sflag:s15] =	dma.local [spmem:s16], $0x2700  }
0x1f: {  	_ =	swait.ge [sflag:s25], $0x2700  }
0x20: {  	s13 =	sadd.s32 $0x1, s13;
	[sflag:s25] =	ssyncset.done $0x0  }
0x21: {  	p1 =	sne.s32 s13, s23;
	s16 =	sshrl.u32 @!p0 s14, $0x3;
	[sflag:s25] =	ssyncadd.s32 $0xFFFFD900  }
0x22: {  	[hbm:s22], [sflag:s15] =	dma.local @!p0 [spmem:s16], $0x100  }
.Ltmp1:
0x23: {  	_ = 	snop;
	(pc) =	sbr.rel @!p1 .LBB2_7-.Ltmp1, $4  }
0x24: {  	s15 =	simm.s32 @!p0 $0x7  }
0x25: {  	_ =	swait.ge @!p0 [sflag:s15], $0x100  }
0x26: {  	[sflag:s15] =	ssyncset.done @!p0 $0x0  }
0x27: {  	[sflag:s15] =	ssyncadd.s32 @!p0 $0xFFFFFF00  }
.LBB2_1:
0x28: {  	s15 =	simm.s32 $0x0;
	s16 =	simm.s32 $0x200  }
.LBB2_2:
0x29: {  	p1 =	sne.s32 s16, $0xCE00;
	[tilespmem:s15+$0x13CF0] =	vst v0  }
0x2a: {  	[tilespmem:s15+$0x13C80] =	vst v0  }
0x2b: {  	[tilespmem:s15+$0x13C90] =	vst v0  }
.Ltmp2:
0x2c: {  	[tilespmem:s15+$0x13CA0] =	vst v0;
	(pc) =	sbr.rel @p1 .LBB2_2-.Ltmp2, $4  }
0x2d: {  	[tilespmem:s15+$0x13CB0] =	vst v0  }
0x2e: {  	[tilespmem:s15+$0x13CC0] =	vst v0  }
0x2f: {  	[tilespmem:s15+$0x13CD0] =	vst v0  }
0x30: {  	[tilespmem:s15+$0x13CE0] =	vst v0;
	s15 =	sshra.s32 s16, $0x2;
	s16 =	sadd.s32 $0x200, s16  }
0x31: {  	[tilespmem:s15+$0x13CF0] =	vst v0  }
0x32: {  	[tilespmem:s15+$0x13C80] =	vst v0  }
0x33: {  	[tilespmem:s15+$0x13C90] =	vst v0  }
0x34: {  	[tilespmem:s15+$0x13CA0] =	vst v0  }
0x35: {  	[tilespmem:s15+$0x13CB0] =	vst v0  }
0x36: {  	[tilespmem:s15+$0x13CC0] =	vst v0  }
0x37: {  	[tilespmem:s15+$0x13CD0] =	vst v0  }
0x38: {  	[tilespmem:s15+$0x13CE0] =	vst v0  }
0x39: {  	[spmem:s7] =	stream.linear.scatter [tilespmem:s24], [sflag:$0x7], $0x3400, $0x38;
	[tilespmem:$0x1FC80] =	vst v63  }
0x3a: {  	_ =	swait.ge [sflag:s25], $0x3400  }
0x3b: {  	[sflag:s25] =	ssyncset.done $0x0  }
0x3c: {  	s20 =	rddreg [dreg:$0x4];
	[sflag:s25] =	ssyncadd.s32 $0xFFFFCC00  }
0x3d: {  	[spmem:s20] =	stream.linear.scatter [tilespmem:s24], [sflag:$0x7], $0x3400, $0x38;
	[tilespmem:$0x1FC80] =	vst v63  }
0x3e: {  	_ =	swait.ge [sflag:s25], $0x3400  }
0x3f: {  	[sflag:s25] =	ssyncset.done $0x0  }
0x40: {  	s16 =	rddreg [dreg:$0x5];
	[sflag:s25] =	ssyncadd.s32 $0xFFFFCC00  }
0x41: {  	[spmem:s16] =	stream.linear.scatter [tilespmem:s24], [sflag:$0x7], $0x3400, $0x38;
	[tilespmem:$0x1FC80] =	vst v63  }
0x42: {  	_ =	swait.ge [sflag:s25], $0x3400  }
0x43: {  	[sflag:s25] =	ssyncset.done $0x0  }
0x44: {  	s17 =	rddreg [dreg:$0x6];
	[sflag:s25] =	ssyncadd.s32 $0xFFFFCC00  }
0x45: {  	[spmem:s17] =	stream.linear.scatter [tilespmem:s24], [sflag:$0x7], $0x3400, $0x38;
	[tilespmem:$0x1FC80] =	vst v63  }
0x46: {  	_ =	swait.ge [sflag:s25], $0x3400  }
0x47: {  	[sflag:s25] =	ssyncset.done $0x0  }
0x48: {  	s18 =	rddreg [dreg:$0x7];
	[sflag:s25] =	ssyncadd.s32 $0xFFFFCC00  }
0x49: {  	[spmem:s18] =	stream.linear.scatter [tilespmem:s24], [sflag:$0x7], $0x3400, $0x38;
	[tilespmem:$0x1FC80] =	vst v63  }
0x4a: {  	_ =	swait.ge [sflag:s25], $0x3400  }
0x4b: {  	[sflag:s25] =	ssyncset.done $0x0  }
0x4c: {  	s19 =	rddreg [dreg:$0x8];
	[sflag:s25] =	ssyncadd.s32 $0xFFFFCC00  }
0x4d: {  	[spmem:s19] =	stream.linear.scatter [tilespmem:s24], [sflag:$0x7], $0x3400, $0x38;
	[tilespmem:$0x1FC80] =	vst v63  }
0x4e: {  	_ =	swait.ge [sflag:s25], $0x3400  }
0x4f: {  	[sflag:s25] =	ssyncset.done $0x0  }
0x50: {  	s15 =	simm.s32 @!p0 $0x13C80;
	[sflag:s25] =	ssyncadd.s32 $0xFFFFCC00  }
0x51: {  	[spmem:s14] =	stream.linear.scatter @!p0 [tilespmem:s15], [sflag:$0x7], $0x800, $0x38;
	[tilespmem:$0x1FC80] =	vst v63  }
0x52: {  	s15 =	simm.s32 @!p0 $0x7  }
0x53: {  	_ =	swait.ge @!p0 [sflag:s15], $0x800  }
0x54: {  	[sflag:s15] =	ssyncset.done @!p0 $0x0  }
0x55: {  	[sflag:s15] =	ssyncadd.s32 @!p0 $0xFFFFF800  }
0x56: {  	[bflag:$0x0] =	sbarrier.arrive $0xFFFF  }
0x57: {  	s20 =	rddreg [dreg:$0x9]  }
0x58: {  	[tilespmem:s26], [sflag:$0x7] =	stream.linear.gather [hbm4b:s20+s3], $0x80, $0x38;
	[tilespmem:$0x1FC80] =	vst v63  }
0x59: {  	_ =	swait.ge [sflag:s25], $0x80  }
0x5a: {  	[sflag:s25] =	ssyncset.done $0x0  }
0x5b: {  	s16 =	rddreg [dreg:$0xa];
	[sflag:s25] =	ssyncadd.s32 $0xFFFFFF80  }
0x5c: {  	[tilespmem:s28], [sflag:$0x7] =	stream.linear.gather [hbm4b:s16+s3], $0x80, $0x38;
	[tilespmem:$0x1FC80] =	vst v63  }
0x5d: {  	_ =	swait.ge [sflag:s25], $0x80  }
0x5e: {  	[sflag:s25] =	ssyncset.done $0x0  }
0x5f: {  	s17 =	rddreg [dreg:$0xb];
	[sflag:s25] =	ssyncadd.s32 $0xFFFFFF80  }
0x60: {  	[tilespmem:s29], [sflag:$0x7] =	stream.linear.gather [hbm4b:s17+s3], $0x80, $0x38;
	[tilespmem:$0x1FC80] =	vst v63  }
0x61: {  	_ =	swait.ge [sflag:s25], $0x80  }
0x62: {  	[sflag:s25] =	ssyncset.done $0x0  }
0x63: {  	s18 =	rddreg [dreg:$0xc];
	[sflag:s25] =	ssyncadd.s32 $0xFFFFFF80  }
0x64: {  	[tilespmem:s30], [sflag:$0x7] =	stream.linear.gather [hbm4b:s18+s3], $0x80, $0x38;
	[tilespmem:$0x1FC80] =	vst v63  }
0x65: {  	_ =	swait.ge [sflag:s25], $0x80  }
0x66: {  	[sflag:s25] =	ssyncset.done $0x0  }
0x67: {  	[sflag:s25] =	ssyncadd.s32 $0xFFFFFF80  }
0x68: {  	[tilespmem:s24], [sflag:$0x1] =	stream.indirect.gather [hbm4b:s5+s31], $0x80, s26, s31, $0xb8;
	[tilespmem:$0x1FC80] =	vst v63  }
0x69: {  	_ = 	snop  }
0x6a: {  	[tilespmem:s0], [sflag:$0x2] =	stream.indirect.gather [hbm4b:s5+s31], $0x80, s29, s31, $0xb8;
	[tilespmem:$0x1FC80] =	vst v63  }
0x6b: {  	s19 =	rddreg [dreg:$0xd]  }
0x6c: {  	[tilespmem:s4], [sflag:$0x6] =	stream.linear.gather [hbm4b:s19+s3], $0x80, $0x38;
	[tilespmem:$0x1FC80] =	vst v63  }
0x6d: {  	s15 =	simm.s32 $0x280;
	s20 =	rddreg [dreg:$0xe]  }
0x6e: {  	[tilespmem:s9], [sflag:$0x6] =	stream.linear.gather [hbm4b:s20+s3], $0x80, $0x38;
	[tilespmem:$0x1FC80] =	vst v63  }
.LBB2_4:
0x6f: {  	_ =	swait.ge [sflag:s10], $0x4000  }
0x70: {  	[sflag:s10] =	ssyncset.done $0x0  }
0x71: {  	[sflag:s10] =	ssyncadd.s32 $0xFFFFC000  }
0x72: {  	_ =	swait.ge [sflag:s11], $0x80  }
0x73: {  	[sflag:s11] =	ssyncset.done $0x0  }
0x74: {  	[sflag:s11] =	ssyncadd.s32 $0xFFFFFF80  }
0x75: {  	_ =	swait.ge [sflag:s11], $0x80  }
0x76: {  	[sflag:s11] =	ssyncset.done $0x0  }
0x77: {  	[sflag:s11] =	ssyncadd.s32 $0xFFFFFF80  }
0x78: {  	[tilespmem:s12], [sflag:$0x3] =	stream.indirect.gather [hbm4b:s5+s31], $0x80, s4, s31, $0xb8;
	[tilespmem:$0x1FC80] =	vst v63  }
0x79: {  	p1 =	seq.s32 s15, $0x2980  }
0x7a: {  	[spmem:s2] =	stream.indirect.scatter.add.f32 [tilespmem:s24], [sflag:$0x7], $0x80, s28, s31, $0xb8;
	[tilespmem:$0x1FC80] =	vst v63  }
0x7b: {  	s16 =	sadd.s32 @!p1 $0xFFFFFF00, s15;
	_ =	swait.ge [sflag:s25], $0x4000  }
0x7c: {  	s17 =	simm.s32 @p1 $0x2;
	s18 =	sand.u32 @!p1 $0x7C00, s16;
	[sflag:s25] =	ssyncset.done $0x0  }
0x7d: {  	s16 =	sand.u32 @!p1 $0x380, s16;
	s18 =	sadd.s32 @!p1 s8, s18;
	[sflag:s25] =	ssyncadd.s32 $0xFFFFC000  }
0x7e: {  	s16 =	sor.u32 @!p1 s16, s18;
	_ =	swait.ge @p1 [sflag:s17], $0x4000  }
0x7f: {  	s19 =	simm.s32 @!p1 $0x13880;
	s16 =	sshrl.u32 @!p1 s16, $0x3;
	[sflag:s17] =	ssyncset.done @p1 $0x0  }
0x80: {  	s18 =	simm.s32 @!p1 $0x0;
	[sflag:s17] =	ssyncadd.s32 @p1 $0xFFFFC000;
	s17 =	sadd.s32 @!p1 s6, s16  }
0x81: {  	[tilespmem:s19], [sflag:$0x4] =	stream.linear.gather @!p1 [hbm4b:s17+s18], $0x80, $0x38;
	[tilespmem:$0x1FC80] =	vst v63  }
0x82: {  	s16 =	sadd.s32 @!p1 s1, s16;
	s17 =	simm.s32 @!p1 $0x13A80  }
0x83: {  	[tilespmem:s17], [sflag:$0x4] =	stream.linear.gather @!p1 [hbm4b:s16+s18], $0x80, $0x38;
	[tilespmem:$0x1FC80] =	vst v63  }
0x84: {  	s16 =	simm.s32 @!p1 $0x2  }
0x85: {  	_ =	swait.ge @!p1 [sflag:s16], $0x4000  }
0x86: {  	[sflag:s16] =	ssyncset.done @!p1 $0x0  }
0x87: {  	[sflag:s16] =	ssyncadd.s32 @!p1 $0xFFFFC000;
	s16 =	simm.s32 @!p1 $0x4  }
0x88: {  	_ =	swait.ge @!p1 [sflag:s16], $0x80  }
0x89: {  	[sflag:s16] =	ssyncset.done @!p1 $0x0  }
0x8a: {  	[sflag:s16] =	ssyncadd.s32 @!p1 $0xFFFFFF80  }
0x8b: {  	_ =	swait.ge @!p1 [sflag:s16], $0x80  }
0x8c: {  	[sflag:s16] =	ssyncset.done @!p1 $0x0  }
0x8d: {  	s17 =	simm.s32 @!p1 $0x13C80;
	[sflag:s16] =	ssyncadd.s32 @!p1 $0xFFFFFF80;
	s16 =	simm.s32 @!p1 $0x80  }
0x8e: {  	[tilespmem:s17], [sflag:$0x1] =	stream.indirect.gather @!p1 [hbm4b:s5+s16], $0x80, s19, s16, $0xb8;
	[tilespmem:$0x1FC80] =	vst v63  }
0x8f: {  	_ = 	snop  }
0x90: {  	[spmem:s2] =	stream.indirect.scatter.add.f32 [tilespmem:s0], [sflag:$0x7], $0x80, s30, s31, $0xb8;
	[tilespmem:$0x1FC80] =	vst v63  }
0x91: {  	s17 =	sadd.s32 @!p1 $0xFFFFFF80, s15;
	_ =	swait.ge [sflag:s25], $0x4000  }
0x92: {  	s20 =	simm.s32 @p1 $0x3;
	s19 =	sand.u32 @!p1 $0x7C00, s17;
	[sflag:s25] =	ssyncset.done $0x0  }
0x93: {  	s17 =	sand.u32 @!p1 $0x380, s17;
	s19 =	sadd.s32 @!p1 s8, s19;
	[sflag:s25] =	ssyncadd.s32 $0xFFFFC000  }
0x94: {  	s17 =	sor.u32 @!p1 s17, s19;
	_ =	swait.ge @p1 [sflag:s20], $0x4000  }
0x95: {  	s17 =	sshrl.u32 @!p1 s17, $0x3;
	[sflag:s20] =	ssyncset.done @p1 $0x0  }
0x96: {  	s19 =	sadd.s32 @!p1 s6, s17;
	[sflag:s20] =	ssyncadd.s32 @p1 $0xFFFFC000;
	s20 =	simm.s32 @!p1 $0x13900  }
0x97: {  	[tilespmem:s20], [sflag:$0x5] =	stream.linear.gather @!p1 [hbm4b:s19+s18], $0x80, $0x38;
	[tilespmem:$0x1FC80] =	vst v63  }
0x98: {  	s17 =	sadd.s32 @!p1 s1, s17;
	s19 =	simm.s32 @!p1 $0x13B00  }
0x99: {  	[tilespmem:s19], [sflag:$0x5] =	stream.linear.gather @!p1 [hbm4b:s17+s18], $0x80, $0x38;
	[tilespmem:$0x1FC80] =	vst v63  }
0x9a: {  	s17 =	simm.s32 @!p1 $0x3  }
0x9b: {  	_ =	swait.ge @!p1 [sflag:s17], $0x4000  }
0x9c: {  	[sflag:s17] =	ssyncset.done @!p1 $0x0  }
0x9d: {  	[sflag:s17] =	ssyncadd.s32 @!p1 $0xFFFFC000;
	s17 =	simm.s32 @!p1 $0x5  }
0x9e: {  	_ =	swait.ge @!p1 [sflag:s17], $0x80  }
0x9f: {  	[sflag:s17] =	ssyncset.done @!p1 $0x0  }
0xa0: {  	[sflag:s17] =	ssyncadd.s32 @!p1 $0xFFFFFF80  }
0xa1: {  	_ =	swait.ge @!p1 [sflag:s17], $0x80  }
0xa2: {  	[sflag:s17] =	ssyncset.done @!p1 $0x0  }
0xa3: {  	[sflag:s17] =	ssyncadd.s32 @!p1 $0xFFFFFF80;
	s17 =	simm.s32 @!p1 $0x17C80  }
0xa4: {  	[tilespmem:s17], [sflag:$0x2] =	stream.indirect.gather @!p1 [hbm4b:s5+s16], $0x80, s20, s16, $0xb8;
	[tilespmem:$0x1FC80] =	vst v63  }
.Ltmp3:
0xa5: {  	_ = 	snop;
	(pc) =	sbr.rel @p1 .LBB2_6-.Ltmp3, $4  }
0xa6: {  	[spmem:s2] =	stream.indirect.scatter.add.f32 [tilespmem:s12], [sflag:$0x7], $0x80, s9, s31, $0xb8;
	[tilespmem:$0x1FC80] =	vst v63  }
0xa7: {  	_ =	swait.ge [sflag:s25], $0x4000  }
0xa8: {  	[sflag:s25] =	ssyncset.done $0x0  }
0xa9: {  	[sflag:s25] =	ssyncadd.s32 $0xFFFFC000  }
0xaa: {  	s16 =	sand.u32 $0x7C00, s15  }
0xab: {  	s17 =	sand.u32 $0x380, s15;
	s16 =	sadd.s32 s8, s16  }
0xac: {  	s16 =	sor.u32 s17, s16  }
.Ltmp4:
0xad: {  	s16 =	sshrl.u32 s16, $0x3;
	(pc) =	sbr.rel .LBB2_4-.Ltmp4, $4  }
0xae: {  	s20 =	sadd.s32 s6, s16  }
0xaf: {  	[tilespmem:s4], [sflag:$0x6] =	stream.linear.gather [hbm4b:s20+s3], $0x80, $0x38;
	[tilespmem:$0x1FC80] =	vst v63  }
0xb0: {  	s15 =	sadd.s32 $0x180, s15;
	s16 =	sadd.s32 s1, s16  }
0xb1: {  	[tilespmem:s9], [sflag:$0x6] =	stream.linear.gather [hbm4b:s16+s3], $0x80, $0x38;
	[tilespmem:$0x1FC80] =	vst v63  }
.LBB2_7:
0xb2: {  	_ =	sfence.sel $0x180000  }
0xb3: {  	[bflag:$0x0] =	sbarrier.arrive $0xFFFF  }
0xb4: {  	_ =	strace $0x9000004A  }
0xb5: {  	s0 =	stileid.u32;
	[bflag:$0x2] =	sbarrier.arrive $0xFFFF  }
0xb6: {  	p0 =	sne.s32 s0, $0x0;
	s0 =	rddreg [dreg:$0x3]  }
0xb7: {  	s0 =	sadd.s32 @!p0 $0x100000, s0  }
0xb8: {  	[sflag:s0] =	ssyncadd.tile.s32 @!p0 $0x1;
	_ =	shalt  }
.Lfunc_end2:
_tile_overlayer_lowered:
.L_overlay_start_2:
0xb9: {  	(tag) =	ssettag $0x2  }
0xba: {  	s0 =	rddreg [dreg:$0x0];
	s2 =	stileid.u32  }
0xbb: {  	s1 =	rddreg [dreg:$0x1];
	p0 =	sne.s32 s2, $0x0  }
0xbc: {  	s3 =	rddreg [dreg:$0x2];
	[bflag:$0x3] =	sbarrier.arrive $0xFFFF;
	s2 =	simm.s32 @!p0 $0x1C07  }
0xbd: {  	[timem:s3], [sflag:s2] =	dma.local @!p0 [hbm:s0], s1  }
0xbe: {  	s0 =	simm.s32 @!p0 $0x7  }
0xbf: {  	_ =	swait.ge @!p0 [sflag:s0], s1  }
0xc0: {  	s1 =	ssub.s32 @!p0 $0x0, s1;
	[sflag:s0] =	ssyncset.done @!p0 $0x0  }
0xc1: {  	[sflag:s0] =	ssyncadd.s32 @!p0 s1  }
0xc2: {  	[bflag:$0x3] =	sbarrier.arrive $0xFFFF  }
0xc3: {  	_ =	shalt  }

</sc_bundles>
